<compile_context>
chip_gen: v7x
topology: tpu7x:2x2x1
jax: 0.10.2.dev20260603
libtpu: 0.0.44.dev20260713+nightly
codegen_flags: <defaults>
</compile_context>

<pallas_src>
import functools

import jax
import jax.numpy as jnp
from jax import lax
from jax.experimental import pallas as pl
from jax.experimental.pallas import tpu as pltpu
from jax.experimental.pallas import tpu_sc as plsc

_B, _T, _D = 1, 2048, 1024
_H, _HD = 8, 128
_E, _K = 16, 8
_SCALE = 1.0 / (_HD ** 0.5)

_TB = 512
_TQ = 2048


def _rank_of(p):
    lane = jax.lax.broadcasted_iota(jnp.int32, (1, _E), 1)
    rank = jnp.zeros(p.shape, jnp.int32)
    for e2 in range(_E):
        pe2 = p[:, e2:e2 + 1]
        before = (pe2 > p) | ((pe2 == p) & (e2 < lane))
        rank = rank + before.astype(jnp.int32)
    return rank


def _route_body(x_ref, gate_ref, w1r_ref, qall_ref, p_ref, rank_ref, qsrc_ref):
    x = x_ref[...]
    logits = jax.lax.dot_general(x, gate_ref[...], (((1,), (0,)), ((), ())),
                                 preferred_element_type=jnp.float32)
    m = jnp.max(logits, axis=1, keepdims=True)
    ex = jnp.exp(logits - m)
    p = ex / jnp.sum(ex, axis=1, keepdims=True)
    p_ref[...] = p
    rank = _rank_of(p)
    rank_ref[...] = rank
    qall = jax.lax.dot_general(x.astype(jnp.bfloat16), w1r_ref[...],
                               (((1,), (0,)), ((), ())),
                               preferred_element_type=jnp.float32)
    qall_ref[...] = qall * _SCALE
    tid = (pl.program_id(0) * _TB
           + jax.lax.broadcasted_iota(jnp.int32, (x.shape[0], 1), 0))
    lane8 = jax.lax.broadcasted_iota(jnp.int32, (1, _K), 1)
    qsrc = jnp.zeros((x.shape[0], _K), jnp.int32)
    for e in range(_E):
        re = rank[:, e:e + 1]
        qsrc = qsrc + e * (re == lane8).astype(jnp.int32)
    qsrc_ref[...] = qsrc + _E * tid


def _make_sc_gather(V, D, B, c_sz, dtype):
    info = plsc.get_sparse_core_info()
    NC, NS = info.num_cores, info.num_subcores
    NW = NC * NS
    b_per_w = B // NW
    assert b_per_w % c_sz == 0 and c_sz % 8 == 0
    nchunks = b_per_w // c_sz
    mesh = plsc.VectorSubcoreMesh(core_axis_name="c", subcore_axis_name="s")

    @functools.partial(
        pl.kernel, mesh=mesh,
        out_type=jax.ShapeDtypeStruct((B, D), dtype),
        scratch_types=(
            [pltpu.VMEM((c_sz,), jnp.int32) for _ in range(nchunks)]
            + [pltpu.VMEM((c_sz, D), dtype) for _ in range(nchunks)]
            + [pltpu.SemaphoreType.DMA, pltpu.SemaphoreType.DMA]
        ),
    )
    def gather(table_hbm, idx_hbm, out_hbm, *scratch):
        idx_vs = scratch[:nchunks]
        row_vs = scratch[nchunks:2 * nchunks]
        gsem, osem = scratch[2 * nchunks], scratch[2 * nchunks + 1]
        wid = lax.axis_index("s") * NC + lax.axis_index("c")
        base = wid * b_per_w
        gathers = []
        for c in range(nchunks):
            off = base + c * c_sz
            pltpu.sync_copy(idx_hbm.at[pl.ds(off, c_sz)], idx_vs[c])
            gathers.append(pltpu.async_copy(table_hbm.at[idx_vs[c]],
                                            row_vs[c], gsem))
        outs = []
        for c in range(nchunks):
            off = base + c * c_sz
            gathers[c].wait()
            outs.append(pltpu.async_copy(row_vs[c],
                                         out_hbm.at[pl.ds(off, c_sz)], osem))
        for o in outs:
            o.wait()

    return gather


def _attn_combine_body(q_ref, k_ref, v_ref, rank_ref, p_ref, w2r_ref,
                       wo_ref, bo_ref, o_ref, ao_acc):
    h = pl.program_id(1)
    q = q_ref[...].astype(jnp.bfloat16)
    k = k_ref[...]
    s = jax.lax.dot_general(q, k, (((1,), (1,)), ((), ())),
                            preferred_element_type=jnp.float32)
    pw = jnp.exp(s)
    l = jnp.sum(pw, axis=1, keepdims=True)
    o = jax.lax.dot_general(pw.astype(jnp.bfloat16), v_ref[...],
                            (((1,), (0,)), ((), ())),
                            preferred_element_type=jnp.float32)
    ao_acc[:, pl.ds(h * _HD, _HD)] = o / l

    @pl.when(h == _H - 1)
    def _combine():
        ao = ao_acc[...]
        rank = rank_ref[...]
        p = p_ref[...]
        zcols = []
        for e in range(_E):
            reb = jnp.broadcast_to(rank[:, e:e + 1], (ao.shape[0], _HD))
            acc = jnp.zeros((ao.shape[0], _HD), jnp.float32)
            for sl in range(_K):
                aos = ao[:, sl * _HD:(sl + 1) * _HD]
                acc = jnp.where(reb == sl, acc + aos, acc)
            zcols.append((acc * p[:, e:e + 1]).astype(jnp.bfloat16))
        z = jnp.concatenate(zcols, axis=1)
        u = jax.lax.dot_general(z, w2r_ref[...], (((1,), (0,)), ((), ())),
                                preferred_element_type=jnp.float32)
        out = jax.lax.dot_general(u.astype(jnp.bfloat16), wo_ref[...],
                                  (((1,), (1,)), ((), ())),
                                  preferred_element_type=jnp.float32)
        o_ref[...] = out + bo_ref[...]


def kernel(query, key, value, gate, w1, w2, Wo, bo):
    x = query.reshape(_T, _D)
    k2d = key.reshape(_T, _D).astype(jnp.bfloat16)
    v2d = value.reshape(_T, _D).astype(jnp.bfloat16)
    w1r = w1.transpose(1, 0, 2).reshape(_D, _E * _HD).astype(jnp.bfloat16)
    w2r = w2.reshape(_E * _HD, _D).astype(jnp.bfloat16)
    wo_b = Wo.astype(jnp.bfloat16)
    bo2 = bo.reshape(1, _D)

    nb = _T // _TB
    qall, probs, rank, qsrc = pl.pallas_call(
        _route_body,
        grid=(nb,),
        in_specs=[
            pl.BlockSpec((_TB, _D), lambda i: (i, 0)),
            pl.BlockSpec((_D, _E), lambda i: (0, 0)),
            pl.BlockSpec((_D, _E * _HD), lambda i: (0, 0)),
        ],
        out_specs=[
            pl.BlockSpec((_TB, _E * _HD), lambda i: (i, 0)),
            pl.BlockSpec((_TB, _E), lambda i: (i, 0)),
            pl.BlockSpec((_TB, _E), lambda i: (i, 0)),
            pl.BlockSpec((_TB, _K), lambda i: (i, 0)),
        ],
        out_shape=[
            jax.ShapeDtypeStruct((_T, _E * _HD), jnp.float32),
            jax.ShapeDtypeStruct((_T, _E), jnp.float32),
            jax.ShapeDtypeStruct((_T, _E), jnp.int32),
            jax.ShapeDtypeStruct((_T, _K), jnp.int32),
        ],
    )(x, gate, w1r)

    q_rows = _make_sc_gather(_T * _E, _HD, _T * _K, 256, jnp.float32)(
        qall.reshape(_T * _E, _HD), qsrc.reshape(_T * _K))
    q2d = q_rows.reshape(_T, _H * _HD)

    _TJ = 1024
    nj = _T // _TJ
    out = pl.pallas_call(
        _attn_combine_body,
        grid=(nj, _H),
        in_specs=[
            pl.BlockSpec((_TJ, _HD), lambda j, h: (j, h)),
            pl.BlockSpec((_T, _HD), lambda j, h: (0, h)),
            pl.BlockSpec((_T, _HD), lambda j, h: (0, h)),
            pl.BlockSpec((_TJ, _E), lambda j, h: (j, 0)),
            pl.BlockSpec((_TJ, _E), lambda j, h: (j, 0)),
            pl.BlockSpec((_E * _HD, _D), lambda j, h: (0, 0)),
            pl.BlockSpec((_D, _D), lambda j, h: (0, 0)),
            pl.BlockSpec((1, _D), lambda j, h: (0, 0)),
        ],
        out_specs=pl.BlockSpec((_TJ, _D), lambda j, h: (j, 0)),
        out_shape=jax.ShapeDtypeStruct((_T, _D), jnp.float32),
        scratch_shapes=[pltpu.VMEM((_TJ, _H * _HD), jnp.float32)],
    )(q2d, k2d, v2d, rank, probs, w2r, wo_b, bo2)

    return out.reshape(_B, _T, _D)

# --- scband reference (transcript-rebuilt; emitter-appended) ---
"""Pipeline reference for scband-moa-attention-3685081940644 (READ-ONLY COPY).

The authoritative reference and input builder live on the scoring server;
editing this copy changes nothing except your own understanding.
"""

import jax, jax.numpy as jnp
import numpy as np

B, T, D = 1, 2048, 1024
H, HD = 8, 128
E, TOPK = 16, 8

def _grouped_mm(inp, w, expert_ids):
    out = jnp.zeros((inp.shape[0], w.shape[2]), inp.dtype)
    for e in range(w.shape[0]):
        out = jnp.where((expert_ids == e)[:, None], inp @ w[e], out)
    return out

def setup_inputs(seed: int = 0):
    key = jax.random.key(seed)
    ks = jax.random.split(key, 8)
    query = jax.random.normal(ks[0], (B, T, D), jnp.float32)
    key_t = jax.random.normal(ks[1], (B, T, D), jnp.float32)
    value = jax.random.normal(ks[2], (B, T, D), jnp.float32)
    a1 = (3.0 * 2.0 / (D + HD)) ** 0.5
    w1 = jax.random.uniform(ks[3], (E, D, HD), jnp.float32, -a1, a1)
    w2 = jax.random.uniform(ks[4], (E, HD, D), jnp.float32, -a1, a1)
    gate = jax.random.normal(ks[5], (D, E), jnp.float32) * 0.02
    Wo = jax.random.normal(ks[6], (D, H * HD), jnp.float32) * 0.02
    bo = jnp.zeros((D,), jnp.float32)
    return {"query": query, "key": key_t, "value": value, "gate": gate, "w1": w1, "w2": w2, "Wo": Wo, "bo": bo}

def reference(query, key, value, gate, w1, w2, Wo, bo):
    x = query.reshape(-1, D)
    # top-k gating (eval mode: deterministic topk on softmax probs)
    probs = jax.nn.softmax(x @ gate, axis=1)
    top_gates, top_idx = jax.lax.top_k(probs, TOPK)
    flat_experts = top_idx.reshape(-1)
    index_sorted = jnp.argsort(flat_experts)
    batch_index = index_sorted // TOPK
    sorted_experts = flat_experts[index_sorted]
    batch_gates = top_gates.reshape(-1)[index_sorted]
    # MoE map: grouped expert matmul D -> HD
    expert_inputs = x[batch_index]
    h = _grouped_mm(expert_inputs, w1, sorted_experts)
    y = jnp.zeros((x.shape[0] * TOPK, HD), h.dtype).at[index_sorted].add(h)
    q = y.reshape(B, T, H, HD).transpose(0, 2, 1, 3)
    k = key.reshape(B, T, H, HD).transpose(0, 2, 1, 3)
    v = value.reshape(B, T, H, HD).transpose(0, 2, 1, 3)
    aw = jax.nn.softmax(jnp.einsum('bhqd,bhkd->bhqk', q, k) / (HD ** 0.5), axis=-1)
    ao = jnp.einsum('bhqk,bhkd->bhqd', aw, v).transpose(0, 2, 1, 3)
    # MoE reduce: grouped expert matmul HD -> D, gated, scatter-add over tokens
    xr = ao.reshape(-1, HD)
    eo = _grouped_mm(xr[index_sorted], w2, sorted_experts) * batch_gates[:, None]
    yr = jnp.zeros((B * T, D), eo.dtype).at[batch_index].add(eo)
    return yr.reshape(B, T, D) @ Wo.T + bo

if __name__ == "__main__":
    import jax
    _d = setup_inputs()
    print(jax.jit(kernel)(*tuple(_d.values())))

</pallas_src>

<mosaic_0001>
#map = affine_map<(d0, d1) -> (0, 0)>
#map1 = affine_map<(d0, d1) -> (0)>
module attributes {stable_mosaic.version = 14 : i64} {
  func.func @gather(%arg0: i32, %arg1: i32, %arg2: memref<32768x128xf32, #tpu.memory_space<hbm>>, %arg3: memref<16384xi32, #tpu.memory_space<hbm>>, %arg4: memref<16384x128xf32, #tpu.memory_space<hbm>>, %arg5: memref<256xi32, #tpu.memory_space<vmem>>, %arg6: memref<256xi32, #tpu.memory_space<vmem>>, %arg7: memref<256x128xf32, #tpu.memory_space<vmem>>, %arg8: memref<256x128xf32, #tpu.memory_space<vmem>>, %arg9: memref<!tpu.dma_semaphore, #tpu.memory_space<semaphore_mem>>, %arg10: memref<!tpu.dma_semaphore, #tpu.memory_space<semaphore_mem>>) attributes {dimension_semantics = [#tpu.dimension_semantics<core_parallel>, #tpu.dimension_semantics<subcore_parallel>], iteration_bounds = array<i64: 2, 16>, scalar_prefetch = 0 : i64, scratch_operands = 6 : i64, tpu.core_type = #tpu.core_type<sc_vector_subcore>, window_params = [{transform_indices = #map}, {transform_indices = #map1}, {transform_indices = #map}]} {
    %mul3A = arith.constant 2 : i32
    %mul3A_0 = arith.muli %arg1, %mul3A : i32
    %add3A = arith.addi %mul3A_0, %arg0 : i32
    %mul3A_1 = arith.constant 512 : i32
    %mul3A_2 = arith.muli %add3A, %mul3A_1 : i32
    %add3A_3 = arith.constant 0 : i32
    %add3A_4 = arith.addi %mul3A_2, %add3A_3 : i32
    "tpu.region"() ({
      %run_scoped3A = tpu.sem_alloc : memref<!tpu.dma_semaphore, #tpu.memory_space<semaphore_mem>>
      %dma_start3A_37 = tpu.memref_slice %arg3[%add3A_4] : memref<16384xi32, #tpu.memory_space<hbm>> -> memref<256xi32, #tpu.memory_space<hbm>>
      %dma_start3A_38 = tpu.memref_slice %arg3[%add3A_4] : memref<16384xi32, #tpu.memory_space<hbm>> -> memref<256xi32, #tpu.memory_space<hbm>>
      tpu.enqueue_dma source(%dma_start3A_38 : memref<256xi32, #tpu.memory_space<hbm>>) target(%arg5 : memref<256xi32, #tpu.memory_space<vmem>>) target_semaphore(%run_scoped3A : memref<!tpu.dma_semaphore, #tpu.memory_space<semaphore_mem>>)
      %dma_wait3A_39 = tpu.memref_slice %arg3[%add3A_4] : memref<16384xi32, #tpu.memory_space<hbm>> -> memref<256xi32, #tpu.memory_space<hbm>>
      %dma_wait3A_40 = tpu.memref_slice %arg3[%add3A_4] : memref<16384xi32, #tpu.memory_space<hbm>> -> memref<256xi32, #tpu.memory_space<hbm>>
      tpu.wait_dma2 semaphore(%run_scoped3A : memref<!tpu.dma_semaphore, #tpu.memory_space<semaphore_mem>>) src(%dma_wait3A_40 : memref<256xi32, #tpu.memory_space<hbm>>) dst(%arg5 : memref<256xi32, #tpu.memory_space<vmem>>)
      tpu.yield
    }) : () -> ()
    %dma_start3A = arith.constant 0 : i32
    %dma_start3A_5 = arith.constant 0 : i32
    %dma_start3A_6 = tpu.memref_slice %arg2[%dma_start3A, %dma_start3A_5] : memref<32768x128xf32, #tpu.memory_space<hbm>> -> memref<32768x128xf32, #tpu.memory_space<hbm>>
    tpu.enqueue_indirect_dma source(%dma_start3A_6 : memref<32768x128xf32, #tpu.memory_space<hbm>>) target(%arg7 : memref<256x128xf32, #tpu.memory_space<vmem>>) offsets(%arg5 : memref<256xi32, #tpu.memory_space<vmem>>) semaphore(%arg9 : memref<!tpu.dma_semaphore, #tpu.memory_space<semaphore_mem>>)
    %add3A_7 = arith.constant 256 : i32
    %add3A_8 = arith.addi %mul3A_2, %add3A_7 : i32
    "tpu.region"() ({
      %run_scoped3A = tpu.sem_alloc : memref<!tpu.dma_semaphore, #tpu.memory_space<semaphore_mem>>
      %dma_start3A_37 = tpu.memref_slice %arg3[%add3A_8] : memref<16384xi32, #tpu.memory_space<hbm>> -> memref<256xi32, #tpu.memory_space<hbm>>
      %dma_start3A_38 = tpu.memref_slice %arg3[%add3A_8] : memref<16384xi32, #tpu.memory_space<hbm>> -> memref<256xi32, #tpu.memory_space<hbm>>
      tpu.enqueue_dma source(%dma_start3A_38 : memref<256xi32, #tpu.memory_space<hbm>>) target(%arg6 : memref<256xi32, #tpu.memory_space<vmem>>) target_semaphore(%run_scoped3A : memref<!tpu.dma_semaphore, #tpu.memory_space<semaphore_mem>>)
      %dma_wait3A_39 = tpu.memref_slice %arg3[%add3A_8] : memref<16384xi32, #tpu.memory_space<hbm>> -> memref<256xi32, #tpu.memory_space<hbm>>
      %dma_wait3A_40 = tpu.memref_slice %arg3[%add3A_8] : memref<16384xi32, #tpu.memory_space<hbm>> -> memref<256xi32, #tpu.memory_space<hbm>>
      tpu.wait_dma2 semaphore(%run_scoped3A : memref<!tpu.dma_semaphore, #tpu.memory_space<semaphore_mem>>) src(%dma_wait3A_40 : memref<256xi32, #tpu.memory_space<hbm>>) dst(%arg6 : memref<256xi32, #tpu.memory_space<vmem>>)
      tpu.yield
    }) : () -> ()
    %dma_start3A_9 = arith.constant 0 : i32
    %dma_start3A_10 = arith.constant 0 : i32
    %dma_start3A_11 = tpu.memref_slice %arg2[%dma_start3A_9, %dma_start3A_10] : memref<32768x128xf32, #tpu.memory_space<hbm>> -> memref<32768x128xf32, #tpu.memory_space<hbm>>
    tpu.enqueue_indirect_dma source(%dma_start3A_11 : memref<32768x128xf32, #tpu.memory_space<hbm>>) target(%arg8 : memref<256x128xf32, #tpu.memory_space<vmem>>) offsets(%arg6 : memref<256xi32, #tpu.memory_space<vmem>>) semaphore(%arg9 : memref<!tpu.dma_semaphore, #tpu.memory_space<semaphore_mem>>)
    %add3A_12 = arith.constant 0 : i32
    %add3A_13 = arith.addi %mul3A_2, %add3A_12 : i32
    %dma_wait3A = arith.constant 0 : i32
    %dma_wait3A_14 = arith.constant 0 : i32
    %dma_wait3A_15 = tpu.memref_slice %arg2[%dma_wait3A, %dma_wait3A_14] : memref<32768x128xf32, #tpu.memory_space<hbm>> -> memref<32768x128xf32, #tpu.memory_space<hbm>>
    tpu.wait_indirect_dma semaphore(%arg9 : memref<!tpu.dma_semaphore, #tpu.memory_space<semaphore_mem>>) src(%dma_wait3A_15 : memref<32768x128xf32, #tpu.memory_space<hbm>>) dst(%arg7 : memref<256x128xf32, #tpu.memory_space<vmem>>)
    %dma_start3A_16 = arith.constant 0 : i32
    %dma_start3A_17 = tpu.memref_slice %arg4[%add3A_13, %dma_start3A_16] : memref<16384x128xf32, #tpu.memory_space<hbm>> -> memref<256x128xf32, #tpu.memory_space<hbm>>
    %dma_start3A_18 = arith.constant 0 : i32
    %dma_start3A_19 = tpu.memref_slice %arg4[%add3A_13, %dma_start3A_18] : memref<16384x128xf32, #tpu.memory_space<hbm>> -> memref<256x128xf32, #tpu.memory_space<hbm>>
    tpu.enqueue_dma source(%arg7 : memref<256x128xf32, #tpu.memory_space<vmem>>) target(%dma_start3A_19 : memref<256x128xf32, #tpu.memory_space<hbm>>) target_semaphore(%arg10 : memref<!tpu.dma_semaphore, #tpu.memory_space<semaphore_mem>>)
    %add3A_20 = arith.constant 256 : i32
    %add3A_21 = arith.addi %mul3A_2, %add3A_20 : i32
    %dma_wait3A_22 = arith.constant 0 : i32
    %dma_wait3A_23 = arith.constant 0 : i32
    %dma_wait3A_24 = tpu.memref_slice %arg2[%dma_wait3A_22, %dma_wait3A_23] : memref<32768x128xf32, #tpu.memory_space<hbm>> -> memref<32768x128xf32, #tpu.memory_space<hbm>>
    tpu.wait_indirect_dma semaphore(%arg9 : memref<!tpu.dma_semaphore, #tpu.memory_space<semaphore_mem>>) src(%dma_wait3A_24 : memref<32768x128xf32, #tpu.memory_space<hbm>>) dst(%arg8 : memref<256x128xf32, #tpu.memory_space<vmem>>)
    %dma_start3A_25 = arith.constant 0 : i32
    %dma_start3A_26 = tpu.memref_slice %arg4[%add3A_21, %dma_start3A_25] : memref<16384x128xf32, #tpu.memory_space<hbm>> -> memref<256x128xf32, #tpu.memory_space<hbm>>
    %dma_start3A_27 = arith.constant 0 : i32
    %dma_start3A_28 = tpu.memref_slice %arg4[%add3A_21, %dma_start3A_27] : memref<16384x128xf32, #tpu.memory_space<hbm>> -> memref<256x128xf32, #tpu.memory_space<hbm>>
    tpu.enqueue_dma source(%arg8 : memref<256x128xf32, #tpu.memory_space<vmem>>) target(%dma_start3A_28 : memref<256x128xf32, #tpu.memory_space<hbm>>) target_semaphore(%arg10 : memref<!tpu.dma_semaphore, #tpu.memory_space<semaphore_mem>>)
    %dma_wait3A_29 = arith.constant 0 : i32
    %dma_wait3A_30 = tpu.memref_slice %arg4[%add3A_13, %dma_wait3A_29] : memref<16384x128xf32, #tpu.memory_space<hbm>> -> memref<256x128xf32, #tpu.memory_space<hbm>>
    %dma_wait3A_31 = arith.constant 0 : i32
    %dma_wait3A_32 = tpu.memref_slice %arg4[%add3A_13, %dma_wait3A_31] : memref<16384x128xf32, #tpu.memory_space<hbm>> -> memref<256x128xf32, #tpu.memory_space<hbm>>
    tpu.wait_dma2 semaphore(%arg10 : memref<!tpu.dma_semaphore, #tpu.memory_space<semaphore_mem>>) src(%arg7 : memref<256x128xf32, #tpu.memory_space<vmem>>) dst(%dma_wait3A_32 : memref<256x128xf32, #tpu.memory_space<hbm>>)
    %dma_wait3A_33 = arith.constant 0 : i32
    %dma_wait3A_34 = tpu.memref_slice %arg4[%add3A_21, %dma_wait3A_33] : memref<16384x128xf32, #tpu.memory_space<hbm>> -> memref<256x128xf32, #tpu.memory_space<hbm>>
    %dma_wait3A_35 = arith.constant 0 : i32
    %dma_wait3A_36 = tpu.memref_slice %arg4[%add3A_21, %dma_wait3A_35] : memref<16384x128xf32, #tpu.memory_space<hbm>> -> memref<256x128xf32, #tpu.memory_space<hbm>>
    tpu.wait_dma2 semaphore(%arg10 : memref<!tpu.dma_semaphore, #tpu.memory_space<semaphore_mem>>) src(%arg8 : memref<256x128xf32, #tpu.memory_space<vmem>>) dst(%dma_wait3A_36 : memref<256x128xf32, #tpu.memory_space<hbm>>)
    return
  }
}

module attributes {stable_mosaic.version = 14 : i64} {
  func.func @_route_body(%arg0: i32, %arg1: memref<512x1024xf32, #tpu.memory_space<vmem>>, %arg2: memref<1024x16xf32, #tpu.memory_space<vmem>>, %arg3: memref<1024x2048xbf16, #tpu.memory_space<vmem>>, %arg4: memref<512x2048xf32, #tpu.memory_space<vmem>>, %arg5: memref<512x16xf32, #tpu.memory_space<vmem>>, %arg6: memref<512x16xi32, #tpu.memory_space<vmem>>, %arg7: memref<512x8xi32, #tpu.memory_space<vmem>>) attributes {dimension_semantics = [#tpu.dimension_semantics<arbitrary>], iteration_bounds = array<i64: 4>, scalar_prefetch = 0 : i64, scratch_operands = 0 : i64, tpu.core_type = #tpu.core_type<tc>, window_params = [{transform_indices = @transform_0, window_bounds = array<i64: 512, 1024>}, {pipeline_mode = #tpu.pipeline_mode<synchronous>, transform_indices = @transform_1, window_bounds = array<i64: 1024, 16>}, {pipeline_mode = #tpu.pipeline_mode<synchronous>, transform_indices = @transform_2, window_bounds = array<i64: 1024, 2048>}, {transform_indices = @transform_3, window_bounds = array<i64: 512, 2048>}, {transform_indices = @transform_4, window_bounds = array<i64: 512, 16>}, {transform_indices = @transform_5, window_bounds = array<i64: 512, 16>}, {transform_indices = @transform_6, window_bounds = array<i64: 512, 8>}]} {
    %get3A = arith.constant 0 : index
    %get3A_0 = arith.constant 0 : index
    %get3A_1 = vector.load %arg1[%get3A, %get3A_0] : memref<512x1024xf32, #tpu.memory_space<vmem>>, vector<512x1024xf32>
    %get3A_2 = arith.constant 0 : index
    %get3A_3 = arith.constant 0 : index
    %get3A_4 = vector.load %arg2[%get3A_2, %get3A_3] : memref<1024x16xf32, #tpu.memory_space<vmem>>, vector<1024x16xf32>
    %dot_general3A = arith.constant dense<0.000000e+00> : vector<512x16xf32>
    %dot_general3A_5 = tpu.matmul %get3A_1, %get3A_4, %dot_general3A {dimension_numbers = #tpu.dot_dimension_numbers<[1], [0], [0], [1], [0, 0, 1, 1], [], []>, transpose_lhs_hint = false} : vector<512x1024xf32>, vector<1024x16xf32>, vector<512x16xf32> -> vector<512x16xf32>
    %reduce_max3A = arith.constant dense<0xFF800000> : vector<512xf32>
    %reduce_max3A_6 = vector.multi_reduction <maximumf>, %dot_general3A_5, %reduce_max3A [1] : vector<512x16xf32> to vector<512xf32>
    %broadcast_in_dim3A = vector.shape_cast %reduce_max3A_6 : vector<512xf32> to vector<512x1xf32>
    %sub3A = vector.broadcast %broadcast_in_dim3A : vector<512x1xf32> to vector<512x16xf32>
    %sub3A_7 = arith.subf %dot_general3A_5, %sub3A : vector<512x16xf32>
    %exp3A = math.exp %sub3A_7 : vector<512x16xf32>
    %reduce_sum3A = arith.constant dense<0.000000e+00> : vector<512xf32>
    %reduce_sum3A_8 = vector.multi_reduction <add>, %exp3A, %reduce_sum3A [1] : vector<512x16xf32> to vector<512xf32>
    %broadcast_in_dim3A_9 = vector.shape_cast %reduce_sum3A_8 : vector<512xf32> to vector<512x1xf32>
    %div3A = vector.broadcast %broadcast_in_dim3A_9 : vector<512x1xf32> to vector<512x16xf32>
    %div3A_10 = arith.divf %exp3A, %div3A : vector<512x16xf32>
    %swap3A = arith.constant 0 : index
    %swap3A_11 = arith.constant 0 : index
    %swap3A_12 = vector.load %arg5[%swap3A, %swap3A_11] : memref<512x16xf32, #tpu.memory_space<vmem>>, vector<512x16xf32>
    tpu.vector_store %arg5[%swap3A, %swap3A_11], %div3A_10 {strides = array<i32>} : memref<512x16xf32, #tpu.memory_space<vmem>>, vector<512x16xf32>,
    %iota3A = tpu.iota {dimensions = array<i32: 1>} : vector<1x16xi32>
    %broadcast_in_dim3A_13 = arith.constant 0 : i32
    %broadcast_in_dim3A_14 = vector.broadcast %broadcast_in_dim3A_13 : i32 to vector<512x16xi32>
    %slice3A = vector.extract_strided_slice %div3A_10 {offsets = [0, 0], sizes = [512, 1], strides = [1, 1]} : vector<512x16xf32> to vector<512x1xf32>
    %gt3A = vector.broadcast %slice3A : vector<512x1xf32> to vector<512x16xf32>
    %gt3A_15 = arith.cmpf ogt, %gt3A, %div3A_10 : vector<512x16xf32>
    %eq3A = vector.broadcast %slice3A : vector<512x1xf32> to vector<512x16xf32>
    %eq3A_16 = arith.cmpf oeq, %eq3A, %div3A_10 : vector<512x16xf32>
    %gt3A_17 = arith.constant 0 : i32
    %gt3A_18 = vector.broadcast %gt3A_17 : i32 to vector<1x16xi32>
    %gt3A_19 = arith.cmpi sgt, %iota3A, %gt3A_18 : vector<1x16xi32>
    %and3A = vector.broadcast %gt3A_19 : vector<1x16xi1> to vector<512x16xi1>
    %and3A_20 = arith.andi %eq3A_16, %and3A : vector<512x16xi1>
    %or3A = arith.ori %gt3A_15, %and3A_20 : vector<512x16xi1>
    %convert_element_type3A = arith.extui %or3A : vector<512x16xi1> to vector<512x16xi32>
    %add3A = arith.addi %broadcast_in_dim3A_14, %convert_element_type3A : vector<512x16xi32>
    %slice3A_21 = vector.extract_strided_slice %div3A_10 {offsets = [0, 1], sizes = [512, 1], strides = [1, 1]} : vector<512x16xf32> to vector<512x1xf32>
    %gt3A_22 = vector.broadcast %slice3A_21 : vector<512x1xf32> to vector<512x16xf32>
    %gt3A_23 = arith.cmpf ogt, %gt3A_22, %div3A_10 : vector<512x16xf32>
    %eq3A_24 = vector.broadcast %slice3A_21 : vector<512x1xf32> to vector<512x16xf32>
    %eq3A_25 = arith.cmpf oeq, %eq3A_24, %div3A_10 : vector<512x16xf32>
    %gt3A_26 = arith.constant 1 : i32
    %gt3A_27 = vector.broadcast %gt3A_26 : i32 to vector<1x16xi32>
    %gt3A_28 = arith.cmpi sgt, %iota3A, %gt3A_27 : vector<1x16xi32>
    %and3A_29 = vector.broadcast %gt3A_28 : vector<1x16xi1> to vector<512x16xi1>
    %and3A_30 = arith.andi %eq3A_25, %and3A_29 : vector<512x16xi1>
    %or3A_31 = arith.ori %gt3A_23, %and3A_30 : vector<512x16xi1>
    %convert_element_type3A_32 = arith.extui %or3A_31 : vector<512x16xi1> to vector<512x16xi32>
    %add3A_33 = arith.addi %add3A, %convert_element_type3A_32 : vector<512x16xi32>
    %slice3A_34 = vector.extract_strided_slice %div3A_10 {offsets = [0, 2], sizes = [512, 1], strides = [1, 1]} : vector<512x16xf32> to vector<512x1xf32>
    %gt3A_35 = vector.broadcast %slice3A_34 : vector<512x1xf32> to vector<512x16xf32>
    %gt3A_36 = arith.cmpf ogt, %gt3A_35, %div3A_10 : vector<512x16xf32>
    %eq3A_37 = vector.broadcast %slice3A_34 : vector<512x1xf32> to vector<512x16xf32>
    %eq3A_38 = arith.cmpf oeq, %eq3A_37, %div3A_10 : vector<512x16xf32>
    %gt3A_39 = arith.constant 2 : i32
    %gt3A_40 = vector.broadcast %gt3A_39 : i32 to vector<1x16xi32>
    %gt3A_41 = arith.cmpi sgt, %iota3A, %gt3A_40 : vector<1x16xi32>
    %and3A_42 = vector.broadcast %gt3A_41 : vector<1x16xi1> to vector<512x16xi1>
    %and3A_43 = arith.andi %eq3A_38, %and3A_42 : vector<512x16xi1>
    %or3A_44 = arith.ori %gt3A_36, %and3A_43 : vector<512x16xi1>
    %convert_element_type3A_45 = arith.extui %or3A_44 : vector<512x16xi1> to vector<512x16xi32>
    %add3A_46 = arith.addi %add3A_33, %convert_element_type3A_45 : vector<512x16xi32>
    %slice3A_47 = vector.extract_strided_slice %div3A_10 {offsets = [0, 3], sizes = [512, 1], strides = [1, 1]} : vector<512x16xf32> to vector<512x1xf32>
    %gt3A_48 = vector.broadcast %slice3A_47 : vector<512x1xf32> to vector<512x16xf32>
    %gt3A_49 = arith.cmpf ogt, %gt3A_48, %div3A_10 : vector<512x16xf32>
    %eq3A_50 = vector.broadcast %slice3A_47 : vector<512x1xf32> to vector<512x16xf32>
    %eq3A_51 = arith.cmpf oeq, %eq3A_50, %div3A_10 : vector<512x16xf32>
    %gt3A_52 = arith.constant 3 : i32
    %gt3A_53 = vector.broadcast %gt3A_52 : i32 to vector<1x16xi32>
    %gt3A_54 = arith.cmpi sgt, %iota3A, %gt3A_53 : vector<1x16xi32>
    %and3A_55 = vector.broadcast %gt3A_54 : vector<1x16xi1> to vector<512x16xi1>
    %and3A_56 = arith.andi %eq3A_51, %and3A_55 : vector<512x16xi1>
    %or3A_57 = arith.ori %gt3A_49, %and3A_56 : vector<512x16xi1>
    %convert_element_type3A_58 = arith.extui %or3A_57 : vector<512x16xi1> to vector<512x16xi32>
    %add3A_59 = arith.addi %add3A_46, %convert_element_type3A_58 : vector<512x16xi32>
    %slice3A_60 = vector.extract_strided_slice %div3A_10 {offsets = [0, 4], sizes = [512, 1], strides = [1, 1]} : vector<512x16xf32> to vector<512x1xf32>
    %gt3A_61 = vector.broadcast %slice3A_60 : vector<512x1xf32> to vector<512x16xf32>
    %gt3A_62 = arith.cmpf ogt, %gt3A_61, %div3A_10 : vector<512x16xf32>
    %eq3A_63 = vector.broadcast %slice3A_60 : vector<512x1xf32> to vector<512x16xf32>
    %eq3A_64 = arith.cmpf oeq, %eq3A_63, %div3A_10 : vector<512x16xf32>
    %gt3A_65 = arith.constant 4 : i32
    %gt3A_66 = vector.broadcast %gt3A_65 : i32 to vector<1x16xi32>
    %gt3A_67 = arith.cmpi sgt, %iota3A, %gt3A_66 : vector<1x16xi32>
    %and3A_68 = vector.broadcast %gt3A_67 : vector<1x16xi1> to vector<512x16xi1>
    %and3A_69 = arith.andi %eq3A_64, %and3A_68 : vector<512x16xi1>
    %or3A_70 = arith.ori %gt3A_62, %and3A_69 : vector<512x16xi1>
    %convert_element_type3A_71 = arith.extui %or3A_70 : vector<512x16xi1> to vector<512x16xi32>
    %add3A_72 = arith.addi %add3A_59, %convert_element_type3A_71 : vector<512x16xi32>
    %slice3A_73 = vector.extract_strided_slice %div3A_10 {offsets = [0, 5], sizes = [512, 1], strides = [1, 1]} : vector<512x16xf32> to vector<512x1xf32>
    %gt3A_74 = vector.broadcast %slice3A_73 : vector<512x1xf32> to vector<512x16xf32>
    %gt3A_75 = arith.cmpf ogt, %gt3A_74, %div3A_10 : vector<512x16xf32>
    %eq3A_76 = vector.broadcast %slice3A_73 : vector<512x1xf32> to vector<512x16xf32>
    %eq3A_77 = arith.cmpf oeq, %eq3A_76, %div3A_10 : vector<512x16xf32>
    %gt3A_78 = arith.constant 5 : i32
    %gt3A_79 = vector.broadcast %gt3A_78 : i32 to vector<1x16xi32>
    %gt3A_80 = arith.cmpi sgt, %iota3A, %gt3A_79 : vector<1x16xi32>
    %and3A_81 = vector.broadcast %gt3A_80 : vector<1x16xi1> to vector<512x16xi1>
    %and3A_82 = arith.andi %eq3A_77, %and3A_81 : vector<512x16xi1>
    %or3A_83 = arith.ori %gt3A_75, %and3A_82 : vector<512x16xi1>
    %convert_element_type3A_84 = arith.extui %or3A_83 : vector<512x16xi1> to vector<512x16xi32>
    %add3A_85 = arith.addi %add3A_72, %convert_element_type3A_84 : vector<512x16xi32>
    %slice3A_86 = vector.extract_strided_slice %div3A_10 {offsets = [0, 6], sizes = [512, 1], strides = [1, 1]} : vector<512x16xf32> to vector<512x1xf32>
    %gt3A_87 = vector.broadcast %slice3A_86 : vector<512x1xf32> to vector<512x16xf32>
    %gt3A_88 = arith.cmpf ogt, %gt3A_87, %div3A_10 : vector<512x16xf32>
    %eq3A_89 = vector.broadcast %slice3A_86 : vector<512x1xf32> to vector<512x16xf32>
    %eq3A_90 = arith.cmpf oeq, %eq3A_89, %div3A_10 : vector<512x16xf32>
    %gt3A_91 = arith.constant 6 : i32
    %gt3A_92 = vector.broadcast %gt3A_91 : i32 to vector<1x16xi32>
    %gt3A_93 = arith.cmpi sgt, %iota3A, %gt3A_92 : vector<1x16xi32>
    %and3A_94 = vector.broadcast %gt3A_93 : vector<1x16xi1> to vector<512x16xi1>
    %and3A_95 = arith.andi %eq3A_90, %and3A_94 : vector<512x16xi1>
    %or3A_96 = arith.ori %gt3A_88, %and3A_95 : vector<512x16xi1>
    %convert_element_type3A_97 = arith.extui %or3A_96 : vector<512x16xi1> to vector<512x16xi32>
    %add3A_98 = arith.addi %add3A_85, %convert_element_type3A_97 : vector<512x16xi32>
    %slice3A_99 = vector.extract_strided_slice %div3A_10 {offsets = [0, 7], sizes = [512, 1], strides = [1, 1]} : vector<512x16xf32> to vector<512x1xf32>
    %gt3A_100 = vector.broadcast %slice3A_99 : vector<512x1xf32> to vector<512x16xf32>
    %gt3A_101 = arith.cmpf ogt, %gt3A_100, %div3A_10 : vector<512x16xf32>
    %eq3A_102 = vector.broadcast %slice3A_99 : vector<512x1xf32> to vector<512x16xf32>
    %eq3A_103 = arith.cmpf oeq, %eq3A_102, %div3A_10 : vector<512x16xf32>
    %gt3A_104 = arith.constant 7 : i32
    %gt3A_105 = vector.broadcast %gt3A_104 : i32 to vector<1x16xi32>
    %gt3A_106 = arith.cmpi sgt, %iota3A, %gt3A_105 : vector<1x16xi32>
    %and3A_107 = vector.broadcast %gt3A_106 : vector<1x16xi1> to vector<512x16xi1>
    %and3A_108 = arith.andi %eq3A_103, %and3A_107 : vector<512x16xi1>
    %or3A_109 = arith.ori %gt3A_101, %and3A_108 : vector<512x16xi1>
    %convert_element_type3A_110 = arith.extui %or3A_109 : vector<512x16xi1> to vector<512x16xi32>
    %add3A_111 = arith.addi %add3A_98, %convert_element_type3A_110 : vector<512x16xi32>
    %slice3A_112 = vector.extract_strided_slice %div3A_10 {offsets = [0, 8], sizes = [512, 1], strides = [1, 1]} : vector<512x16xf32> to vector<512x1xf32>
    %gt3A_113 = vector.broadcast %slice3A_112 : vector<512x1xf32> to vector<512x16xf32>
    %gt3A_114 = arith.cmpf ogt, %gt3A_113, %div3A_10 : vector<512x16xf32>
    %eq3A_115 = vector.broadcast %slice3A_112 : vector<512x1xf32> to vector<512x16xf32>
    %eq3A_116 = arith.cmpf oeq, %eq3A_115, %div3A_10 : vector<512x16xf32>
    %gt3A_117 = arith.constant 8 : i32
    %gt3A_118 = vector.broadcast %gt3A_117 : i32 to vector<1x16xi32>
    %gt3A_119 = arith.cmpi sgt, %iota3A, %gt3A_118 : vector<1x16xi32>
    %and3A_120 = vector.broadcast %gt3A_119 : vector<1x16xi1> to vector<512x16xi1>
    %and3A_121 = arith.andi %eq3A_116, %and3A_120 : vector<512x16xi1>
    %or3A_122 = arith.ori %gt3A_114, %and3A_121 : vector<512x16xi1>
    %convert_element_type3A_123 = arith.extui %or3A_122 : vector<512x16xi1> to vector<512x16xi32>
    %add3A_124 = arith.addi %add3A_111, %convert_element_type3A_123 : vector<512x16xi32>
    %slice3A_125 = vector.extract_strided_slice %div3A_10 {offsets = [0, 9], sizes = [512, 1], strides = [1, 1]} : vector<512x16xf32> to vector<512x1xf32>
    %gt3A_126 = vector.broadcast %slice3A_125 : vector<512x1xf32> to vector<512x16xf32>
    %gt3A_127 = arith.cmpf ogt, %gt3A_126, %div3A_10 : vector<512x16xf32>
    %eq3A_128 = vector.broadcast %slice3A_125 : vector<512x1xf32> to vector<512x16xf32>
    %eq3A_129 = arith.cmpf oeq, %eq3A_128, %div3A_10 : vector<512x16xf32>
    %gt3A_130 = arith.constant 9 : i32
    %gt3A_131 = vector.broadcast %gt3A_130 : i32 to vector<1x16xi32>
    %gt3A_132 = arith.cmpi sgt, %iota3A, %gt3A_131 : vector<1x16xi32>
    %and3A_133 = vector.broadcast %gt3A_132 : vector<1x16xi1> to vector<512x16xi1>
    %and3A_134 = arith.andi %eq3A_129, %and3A_133 : vector<512x16xi1>
    %or3A_135 = arith.ori %gt3A_127, %and3A_134 : vector<512x16xi1>
    %convert_element_type3A_136 = arith.extui %or3A_135 : vector<512x16xi1> to vector<512x16xi32>
    %add3A_137 = arith.addi %add3A_124, %convert_element_type3A_136 : vector<512x16xi32>
    %slice3A_138 = vector.extract_strided_slice %div3A_10 {offsets = [0, 10], sizes = [512, 1], strides = [1, 1]} : vector<512x16xf32> to vector<512x1xf32>
    %gt3A_139 = vector.broadcast %slice3A_138 : vector<512x1xf32> to vector<512x16xf32>
    %gt3A_140 = arith.cmpf ogt, %gt3A_139, %div3A_10 : vector<512x16xf32>
    %eq3A_141 = vector.broadcast %slice3A_138 : vector<512x1xf32> to vector<512x16xf32>
    %eq3A_142 = arith.cmpf oeq, %eq3A_141, %div3A_10 : vector<512x16xf32>
    %gt3A_143 = arith.constant 10 : i32
    %gt3A_144 = vector.broadcast %gt3A_143 : i32 to vector<1x16xi32>
    %gt3A_145 = arith.cmpi sgt, %iota3A, %gt3A_144 : vector<1x16xi32>
    %and3A_146 = vector.broadcast %gt3A_145 : vector<1x16xi1> to vector<512x16xi1>
    %and3A_147 = arith.andi %eq3A_142, %and3A_146 : vector<512x16xi1>
    %or3A_148 = arith.ori %gt3A_140, %and3A_147 : vector<512x16xi1>
    %convert_element_type3A_149 = arith.extui %or3A_148 : vector<512x16xi1> to vector<512x16xi32>
    %add3A_150 = arith.addi %add3A_137, %convert_element_type3A_149 : vector<512x16xi32>
    %slice3A_151 = vector.extract_strided_slice %div3A_10 {offsets = [0, 11], sizes = [512, 1], strides = [1, 1]} : vector<512x16xf32> to vector<512x1xf32>
    %gt3A_152 = vector.broadcast %slice3A_151 : vector<512x1xf32> to vector<512x16xf32>
    %gt3A_153 = arith.cmpf ogt, %gt3A_152, %div3A_10 : vector<512x16xf32>
    %eq3A_154 = vector.broadcast %slice3A_151 : vector<512x1xf32> to vector<512x16xf32>
    %eq3A_155 = arith.cmpf oeq, %eq3A_154, %div3A_10 : vector<512x16xf32>
    %gt3A_156 = arith.constant 11 : i32
    %gt3A_157 = vector.broadcast %gt3A_156 : i32 to vector<1x16xi32>
    %gt3A_158 = arith.cmpi sgt, %iota3A, %gt3A_157 : vector<1x16xi32>
    %and3A_159 = vector.broadcast %gt3A_158 : vector<1x16xi1> to vector<512x16xi1>
    %and3A_160 = arith.andi %eq3A_155, %and3A_159 : vector<512x16xi1>
    %or3A_161 = arith.ori %gt3A_153, %and3A_160 : vector<512x16xi1>
    %convert_element_type3A_162 = arith.extui %or3A_161 : vector<512x16xi1> to vector<512x16xi32>
    %add3A_163 = arith.addi %add3A_150, %convert_element_type3A_162 : vector<512x16xi32>
    %slice3A_164 = vector.extract_strided_slice %div3A_10 {offsets = [0, 12], sizes = [512, 1], strides = [1, 1]} : vector<512x16xf32> to vector<512x1xf32>
    %gt3A_165 = vector.broadcast %slice3A_164 : vector<512x1xf32> to vector<512x16xf32>
    %gt3A_166 = arith.cmpf ogt, %gt3A_165, %div3A_10 : vector<512x16xf32>
    %eq3A_167 = vector.broadcast %slice3A_164 : vector<512x1xf32> to vector<512x16xf32>
    %eq3A_168 = arith.cmpf oeq, %eq3A_167, %div3A_10 : vector<512x16xf32>
    %gt3A_169 = arith.constant 12 : i32
    %gt3A_170 = vector.broadcast %gt3A_169 : i32 to vector<1x16xi32>
    %gt3A_171 = arith.cmpi sgt, %iota3A, %gt3A_170 : vector<1x16xi32>
    %and3A_172 = vector.broadcast %gt3A_171 : vector<1x16xi1> to vector<512x16xi1>
    %and3A_173 = arith.andi %eq3A_168, %and3A_172 : vector<512x16xi1>
    %or3A_174 = arith.ori %gt3A_166, %and3A_173 : vector<512x16xi1>
    %convert_element_type3A_175 = arith.extui %or3A_174 : vector<512x16xi1> to vector<512x16xi32>
    %add3A_176 = arith.addi %add3A_163, %convert_element_type3A_175 : vector<512x16xi32>
    %slice3A_177 = vector.extract_strided_slice %div3A_10 {offsets = [0, 13], sizes = [512, 1], strides = [1, 1]} : vector<512x16xf32> to vector<512x1xf32>
    %gt3A_178 = vector.broadcast %slice3A_177 : vector<512x1xf32> to vector<512x16xf32>
    %gt3A_179 = arith.cmpf ogt, %gt3A_178, %div3A_10 : vector<512x16xf32>
    %eq3A_180 = vector.broadcast %slice3A_177 : vector<512x1xf32> to vector<512x16xf32>
    %eq3A_181 = arith.cmpf oeq, %eq3A_180, %div3A_10 : vector<512x16xf32>
    %gt3A_182 = arith.constant 13 : i32
    %gt3A_183 = vector.broadcast %gt3A_182 : i32 to vector<1x16xi32>
    %gt3A_184 = arith.cmpi sgt, %iota3A, %gt3A_183 : vector<1x16xi32>
    %and3A_185 = vector.broadcast %gt3A_184 : vector<1x16xi1> to vector<512x16xi1>
    %and3A_186 = arith.andi %eq3A_181, %and3A_185 : vector<512x16xi1>
    %or3A_187 = arith.ori %gt3A_179, %and3A_186 : vector<512x16xi1>
    %convert_element_type3A_188 = arith.extui %or3A_187 : vector<512x16xi1> to vector<512x16xi32>
    %add3A_189 = arith.addi %add3A_176, %convert_element_type3A_188 : vector<512x16xi32>
    %slice3A_190 = vector.extract_strided_slice %div3A_10 {offsets = [0, 14], sizes = [512, 1], strides = [1, 1]} : vector<512x16xf32> to vector<512x1xf32>
    %gt3A_191 = vector.broadcast %slice3A_190 : vector<512x1xf32> to vector<512x16xf32>
    %gt3A_192 = arith.cmpf ogt, %gt3A_191, %div3A_10 : vector<512x16xf32>
    %eq3A_193 = vector.broadcast %slice3A_190 : vector<512x1xf32> to vector<512x16xf32>
    %eq3A_194 = arith.cmpf oeq, %eq3A_193, %div3A_10 : vector<512x16xf32>
    %gt3A_195 = arith.constant 14 : i32
    %gt3A_196 = vector.broadcast %gt3A_195 : i32 to vector<1x16xi32>
    %gt3A_197 = arith.cmpi sgt, %iota3A, %gt3A_196 : vector<1x16xi32>
    %and3A_198 = vector.broadcast %gt3A_197 : vector<1x16xi1> to vector<512x16xi1>
    %and3A_199 = arith.andi %eq3A_194, %and3A_198 : vector<512x16xi1>
    %or3A_200 = arith.ori %gt3A_192, %and3A_199 : vector<512x16xi1>
    %convert_element_type3A_201 = arith.extui %or3A_200 : vector<512x16xi1> to vector<512x16xi32>
    %add3A_202 = arith.addi %add3A_189, %convert_element_type3A_201 : vector<512x16xi32>
    %slice3A_203 = vector.extract_strided_slice %div3A_10 {offsets = [0, 15], sizes = [512, 1], strides = [1, 1]} : vector<512x16xf32> to vector<512x1xf32>
    %gt3A_204 = vector.broadcast %slice3A_203 : vector<512x1xf32> to vector<512x16xf32>
    %gt3A_205 = arith.cmpf ogt, %gt3A_204, %div3A_10 : vector<512x16xf32>
    %eq3A_206 = vector.broadcast %slice3A_203 : vector<512x1xf32> to vector<512x16xf32>
    %eq3A_207 = arith.cmpf oeq, %eq3A_206, %div3A_10 : vector<512x16xf32>
    %gt3A_208 = arith.constant 15 : i32
    %gt3A_209 = vector.broadcast %gt3A_208 : i32 to vector<1x16xi32>
    %gt3A_210 = arith.cmpi sgt, %iota3A, %gt3A_209 : vector<1x16xi32>
    %and3A_211 = vector.broadcast %gt3A_210 : vector<1x16xi1> to vector<512x16xi1>
    %and3A_212 = arith.andi %eq3A_207, %and3A_211 : vector<512x16xi1>
    %or3A_213 = arith.ori %gt3A_205, %and3A_212 : vector<512x16xi1>
    %convert_element_type3A_214 = arith.extui %or3A_213 : vector<512x16xi1> to vector<512x16xi32>
    %add3A_215 = arith.addi %add3A_202, %convert_element_type3A_214 : vector<512x16xi32>
    %swap3A_216 = arith.constant 0 : index
    %swap3A_217 = arith.constant 0 : index
    %swap3A_218 = vector.load %arg6[%swap3A_216, %swap3A_217] : memref<512x16xi32, #tpu.memory_space<vmem>>, vector<512x16xi32>
    tpu.vector_store %arg6[%swap3A_216, %swap3A_217], %add3A_215 {strides = array<i32>} : memref<512x16xi32, #tpu.memory_space<vmem>>, vector<512x16xi32>,
    %convert_element_type3A_219 = arith.truncf %get3A_1 : vector<512x1024xf32> to vector<512x1024xbf16>
    %get3A_220 = arith.constant 0 : index
    %get3A_221 = arith.constant 0 : index
    %get3A_222 = vector.load %arg3[%get3A_220, %get3A_221] : memref<1024x2048xbf16, #tpu.memory_space<vmem>>, vector<1024x2048xbf16>
    %dot_general3A_223 = arith.constant dense<0.000000e+00> : vector<512x2048xf32>
    %dot_general3A_224 = tpu.matmul %convert_element_type3A_219, %get3A_222, %dot_general3A_223 {dimension_numbers = #tpu.dot_dimension_numbers<[1], [0], [0], [1], [0, 0, 1, 1], [], []>, transpose_lhs_hint = false} : vector<512x1024xbf16>, vector<1024x2048xbf16>, vector<512x2048xf32> -> vector<512x2048xf32>
    %mul3A = arith.constant 0.0883883461 : f32
    %mul3A_225 = vector.broadcast %mul3A : f32 to vector<512x2048xf32>
    %mul3A_226 = arith.mulf %dot_general3A_224, %mul3A_225 : vector<512x2048xf32>
    %swap3A_227 = arith.constant 0 : index
    %swap3A_228 = arith.constant 0 : index
    %swap3A_229 = vector.load %arg4[%swap3A_227, %swap3A_228] : memref<512x2048xf32, #tpu.memory_space<vmem>>, vector<512x2048xf32>
    tpu.vector_store %arg4[%swap3A_227, %swap3A_228], %mul3A_226 {strides = array<i32>} : memref<512x2048xf32, #tpu.memory_space<vmem>>, vector<512x2048xf32>,
    %mul3A_230 = arith.constant 512 : i32
    %mul3A_231 = arith.muli %arg0, %mul3A_230 : i32
    %iota3A_232 = tpu.iota {dimensions = array<i32: 0>} : vector<512x1xi32>
    %add3A_233 = vector.broadcast %mul3A_231 : i32 to vector<512x1xi32>
    %add3A_234 = arith.addi %add3A_233, %iota3A_232 : vector<512x1xi32>
    %iota3A_235 = tpu.iota {dimensions = array<i32: 1>} : vector<1x8xi32>
    %broadcast_in_dim3A_236 = arith.constant 0 : i32
    %broadcast_in_dim3A_237 = vector.broadcast %broadcast_in_dim3A_236 : i32 to vector<512x8xi32>
    %slice3A_238 = vector.extract_strided_slice %add3A_215 {offsets = [0, 0], sizes = [512, 1], strides = [1, 1]} : vector<512x16xi32> to vector<512x1xi32>
    %eq3A_239 = vector.broadcast %slice3A_238 : vector<512x1xi32> to vector<512x8xi32>
    %eq3A_240 = vector.broadcast %iota3A_235 : vector<1x8xi32> to vector<512x8xi32>
    %eq3A_241 = arith.cmpi eq, %eq3A_239, %eq3A_240 : vector<512x8xi32>
    %convert_element_type3A_242 = arith.extui %eq3A_241 : vector<512x8xi1> to vector<512x8xi32>
    %mul3A_243 = arith.constant 0 : i32
    %mul3A_244 = vector.broadcast %mul3A_243 : i32 to vector<512x8xi32>
    %mul3A_245 = arith.muli %mul3A_244, %convert_element_type3A_242 : vector<512x8xi32>
    %add3A_246 = arith.addi %broadcast_in_dim3A_237, %mul3A_245 : vector<512x8xi32>
    %slice3A_247 = vector.extract_strided_slice %add3A_215 {offsets = [0, 1], sizes = [512, 1], strides = [1, 1]} : vector<512x16xi32> to vector<512x1xi32>
    %eq3A_248 = vector.broadcast %slice3A_247 : vector<512x1xi32> to vector<512x8xi32>
    %eq3A_249 = vector.broadcast %iota3A_235 : vector<1x8xi32> to vector<512x8xi32>
    %eq3A_250 = arith.cmpi eq, %eq3A_248, %eq3A_249 : vector<512x8xi32>
    %convert_element_type3A_251 = arith.extui %eq3A_250 : vector<512x8xi1> to vector<512x8xi32>
    %mul3A_252 = arith.constant 1 : i32
    %mul3A_253 = vector.broadcast %mul3A_252 : i32 to vector<512x8xi32>
    %mul3A_254 = arith.muli %mul3A_253, %convert_element_type3A_251 : vector<512x8xi32>
    %add3A_255 = arith.addi %add3A_246, %mul3A_254 : vector<512x8xi32>
    %slice3A_256 = vector.extract_strided_slice %add3A_215 {offsets = [0, 2], sizes = [512, 1], strides = [1, 1]} : vector<512x16xi32> to vector<512x1xi32>
    %eq3A_257 = vector.broadcast %slice3A_256 : vector<512x1xi32> to vector<512x8xi32>
    %eq3A_258 = vector.broadcast %iota3A_235 : vector<1x8xi32> to vector<512x8xi32>
    %eq3A_259 = arith.cmpi eq, %eq3A_257, %eq3A_258 : vector<512x8xi32>
    %convert_element_type3A_260 = arith.extui %eq3A_259 : vector<512x8xi1> to vector<512x8xi32>
    %mul3A_261 = arith.constant 2 : i32
    %mul3A_262 = vector.broadcast %mul3A_261 : i32 to vector<512x8xi32>
    %mul3A_263 = arith.muli %mul3A_262, %convert_element_type3A_260 : vector<512x8xi32>
    %add3A_264 = arith.addi %add3A_255, %mul3A_263 : vector<512x8xi32>
    %slice3A_265 = vector.extract_strided_slice %add3A_215 {offsets = [0, 3], sizes = [512, 1], strides = [1, 1]} : vector<512x16xi32> to vector<512x1xi32>
    %eq3A_266 = vector.broadcast %slice3A_265 : vector<512x1xi32> to vector<512x8xi32>
    %eq3A_267 = vector.broadcast %iota3A_235 : vector<1x8xi32> to vector<512x8xi32>
    %eq3A_268 = arith.cmpi eq, %eq3A_266, %eq3A_267 : vector<512x8xi32>
    %convert_element_type3A_269 = arith.extui %eq3A_268 : vector<512x8xi1> to vector<512x8xi32>
    %mul3A_270 = arith.constant 3 : i32
    %mul3A_271 = vector.broadcast %mul3A_270 : i32 to vector<512x8xi32>
    %mul3A_272 = arith.muli %mul3A_271, %convert_element_type3A_269 : vector<512x8xi32>
    %add3A_273 = arith.addi %add3A_264, %mul3A_272 : vector<512x8xi32>
    %slice3A_274 = vector.extract_strided_slice %add3A_215 {offsets = [0, 4], sizes = [512, 1], strides = [1, 1]} : vector<512x16xi32> to vector<512x1xi32>
    %eq3A_275 = vector.broadcast %slice3A_274 : vector<512x1xi32> to vector<512x8xi32>
    %eq3A_276 = vector.broadcast %iota3A_235 : vector<1x8xi32> to vector<512x8xi32>
    %eq3A_277 = arith.cmpi eq, %eq3A_275, %eq3A_276 : vector<512x8xi32>
    %convert_element_type3A_278 = arith.extui %eq3A_277 : vector<512x8xi1> to vector<512x8xi32>
    %mul3A_279 = arith.constant 4 : i32
    %mul3A_280 = vector.broadcast %mul3A_279 : i32 to vector<512x8xi32>
    %mul3A_281 = arith.muli %mul3A_280, %convert_element_type3A_278 : vector<512x8xi32>
    %add3A_282 = arith.addi %add3A_273, %mul3A_281 : vector<512x8xi32>
    %slice3A_283 = vector.extract_strided_slice %add3A_215 {offsets = [0, 5], sizes = [512, 1], strides = [1, 1]} : vector<512x16xi32> to vector<512x1xi32>
    %eq3A_284 = vector.broadcast %slice3A_283 : vector<512x1xi32> to vector<512x8xi32>
    %eq3A_285 = vector.broadcast %iota3A_235 : vector<1x8xi32> to vector<512x8xi32>
    %eq3A_286 = arith.cmpi eq, %eq3A_284, %eq3A_285 : vector<512x8xi32>
    %convert_element_type3A_287 = arith.extui %eq3A_286 : vector<512x8xi1> to vector<512x8xi32>
    %mul3A_288 = arith.constant 5 : i32
    %mul3A_289 = vector.broadcast %mul3A_288 : i32 to vector<512x8xi32>
    %mul3A_290 = arith.muli %mul3A_289, %convert_element_type3A_287 : vector<512x8xi32>
    %add3A_291 = arith.addi %add3A_282, %mul3A_290 : vector<512x8xi32>
    %slice3A_292 = vector.extract_strided_slice %add3A_215 {offsets = [0, 6], sizes = [512, 1], strides = [1, 1]} : vector<512x16xi32> to vector<512x1xi32>
    %eq3A_293 = vector.broadcast %slice3A_292 : vector<512x1xi32> to vector<512x8xi32>
    %eq3A_294 = vector.broadcast %iota3A_235 : vector<1x8xi32> to vector<512x8xi32>
    %eq3A_295 = arith.cmpi eq, %eq3A_293, %eq3A_294 : vector<512x8xi32>
    %convert_element_type3A_296 = arith.extui %eq3A_295 : vector<512x8xi1> to vector<512x8xi32>
    %mul3A_297 = arith.constant 6 : i32
    %mul3A_298 = vector.broadcast %mul3A_297 : i32 to vector<512x8xi32>
    %mul3A_299 = arith.muli %mul3A_298, %convert_element_type3A_296 : vector<512x8xi32>
    %add3A_300 = arith.addi %add3A_291, %mul3A_299 : vector<512x8xi32>
    %slice3A_301 = vector.extract_strided_slice %add3A_215 {offsets = [0, 7], sizes = [512, 1], strides = [1, 1]} : vector<512x16xi32> to vector<512x1xi32>
    %eq3A_302 = vector.broadcast %slice3A_301 : vector<512x1xi32> to vector<512x8xi32>
    %eq3A_303 = vector.broadcast %iota3A_235 : vector<1x8xi32> to vector<512x8xi32>
    %eq3A_304 = arith.cmpi eq, %eq3A_302, %eq3A_303 : vector<512x8xi32>
    %convert_element_type3A_305 = arith.extui %eq3A_304 : vector<512x8xi1> to vector<512x8xi32>
    %mul3A_306 = arith.constant 7 : i32
    %mul3A_307 = vector.broadcast %mul3A_306 : i32 to vector<512x8xi32>
    %mul3A_308 = arith.muli %mul3A_307, %convert_element_type3A_305 : vector<512x8xi32>
    %add3A_309 = arith.addi %add3A_300, %mul3A_308 : vector<512x8xi32>
    %slice3A_310 = vector.extract_strided_slice %add3A_215 {offsets = [0, 8], sizes = [512, 1], strides = [1, 1]} : vector<512x16xi32> to vector<512x1xi32>
    %eq3A_311 = vector.broadcast %slice3A_310 : vector<512x1xi32> to vector<512x8xi32>
    %eq3A_312 = vector.broadcast %iota3A_235 : vector<1x8xi32> to vector<512x8xi32>
    %eq3A_313 = arith.cmpi eq, %eq3A_311, %eq3A_312 : vector<512x8xi32>
    %convert_element_type3A_314 = arith.extui %eq3A_313 : vector<512x8xi1> to vector<512x8xi32>
    %mul3A_315 = arith.constant 8 : i32
    %mul3A_316 = vector.broadcast %mul3A_315 : i32 to vector<512x8xi32>
    %mul3A_317 = arith.muli %mul3A_316, %convert_element_type3A_314 : vector<512x8xi32>
    %add3A_318 = arith.addi %add3A_309, %mul3A_317 : vector<512x8xi32>
    %slice3A_319 = vector.extract_strided_slice %add3A_215 {offsets = [0, 9], sizes = [512, 1], strides = [1, 1]} : vector<512x16xi32> to vector<512x1xi32>
    %eq3A_320 = vector.broadcast %slice3A_319 : vector<512x1xi32> to vector<512x8xi32>
    %eq3A_321 = vector.broadcast %iota3A_235 : vector<1x8xi32> to vector<512x8xi32>
    %eq3A_322 = arith.cmpi eq, %eq3A_320, %eq3A_321 : vector<512x8xi32>
    %convert_element_type3A_323 = arith.extui %eq3A_322 : vector<512x8xi1> to vector<512x8xi32>
    %mul3A_324 = arith.constant 9 : i32
    %mul3A_325 = vector.broadcast %mul3A_324 : i32 to vector<512x8xi32>
    %mul3A_326 = arith.muli %mul3A_325, %convert_element_type3A_323 : vector<512x8xi32>
    %add3A_327 = arith.addi %add3A_318, %mul3A_326 : vector<512x8xi32>
    %slice3A_328 = vector.extract_strided_slice %add3A_215 {offsets = [0, 10], sizes = [512, 1], strides = [1, 1]} : vector<512x16xi32> to vector<512x1xi32>
    %eq3A_329 = vector.broadcast %slice3A_328 : vector<512x1xi32> to vector<512x8xi32>
    %eq3A_330 = vector.broadcast %iota3A_235 : vector<1x8xi32> to vector<512x8xi32>
    %eq3A_331 = arith.cmpi eq, %eq3A_329, %eq3A_330 : vector<512x8xi32>
    %convert_element_type3A_332 = arith.extui %eq3A_331 : vector<512x8xi1> to vector<512x8xi32>
    %mul3A_333 = arith.constant 10 : i32
    %mul3A_334 = vector.broadcast %mul3A_333 : i32 to vector<512x8xi32>
    %mul3A_335 = arith.muli %mul3A_334, %convert_element_type3A_332 : vector<512x8xi32>
    %add3A_336 = arith.addi %add3A_327, %mul3A_335 : vector<512x8xi32>
    %slice3A_337 = vector.extract_strided_slice %add3A_215 {offsets = [0, 11], sizes = [512, 1], strides = [1, 1]} : vector<512x16xi32> to vector<512x1xi32>
    %eq3A_338 = vector.broadcast %slice3A_337 : vector<512x1xi32> to vector<512x8xi32>
    %eq3A_339 = vector.broadcast %iota3A_235 : vector<1x8xi32> to vector<512x8xi32>
    %eq3A_340 = arith.cmpi eq, %eq3A_338, %eq3A_339 : vector<512x8xi32>
    %convert_element_type3A_341 = arith.extui %eq3A_340 : vector<512x8xi1> to vector<512x8xi32>
    %mul3A_342 = arith.constant 11 : i32
    %mul3A_343 = vector.broadcast %mul3A_342 : i32 to vector<512x8xi32>
    %mul3A_344 = arith.muli %mul3A_343, %convert_element_type3A_341 : vector<512x8xi32>
    %add3A_345 = arith.addi %add3A_336, %mul3A_344 : vector<512x8xi32>
    %slice3A_346 = vector.extract_strided_slice %add3A_215 {offsets = [0, 12], sizes = [512, 1], strides = [1, 1]} : vector<512x16xi32> to vector<512x1xi32>
    %eq3A_347 = vector.broadcast %slice3A_346 : vector<512x1xi32> to vector<512x8xi32>
    %eq3A_348 = vector.broadcast %iota3A_235 : vector<1x8xi32> to vector<512x8xi32>
    %eq3A_349 = arith.cmpi eq, %eq3A_347, %eq3A_348 : vector<512x8xi32>
    %convert_element_type3A_350 = arith.extui %eq3A_349 : vector<512x8xi1> to vector<512x8xi32>
    %mul3A_351 = arith.constant 12 : i32
    %mul3A_352 = vector.broadcast %mul3A_351 : i32 to vector<512x8xi32>
    %mul3A_353 = arith.muli %mul3A_352, %convert_element_type3A_350 : vector<512x8xi32>
    %add3A_354 = arith.addi %add3A_345, %mul3A_353 : vector<512x8xi32>
    %slice3A_355 = vector.extract_strided_slice %add3A_215 {offsets = [0, 13], sizes = [512, 1], strides = [1, 1]} : vector<512x16xi32> to vector<512x1xi32>
    %eq3A_356 = vector.broadcast %slice3A_355 : vector<512x1xi32> to vector<512x8xi32>
    %eq3A_357 = vector.broadcast %iota3A_235 : vector<1x8xi32> to vector<512x8xi32>
    %eq3A_358 = arith.cmpi eq, %eq3A_356, %eq3A_357 : vector<512x8xi32>
    %convert_element_type3A_359 = arith.extui %eq3A_358 : vector<512x8xi1> to vector<512x8xi32>
    %mul3A_360 = arith.constant 13 : i32
    %mul3A_361 = vector.broadcast %mul3A_360 : i32 to vector<512x8xi32>
    %mul3A_362 = arith.muli %mul3A_361, %convert_element_type3A_359 : vector<512x8xi32>
    %add3A_363 = arith.addi %add3A_354, %mul3A_362 : vector<512x8xi32>
    %slice3A_364 = vector.extract_strided_slice %add3A_215 {offsets = [0, 14], sizes = [512, 1], strides = [1, 1]} : vector<512x16xi32> to vector<512x1xi32>
    %eq3A_365 = vector.broadcast %slice3A_364 : vector<512x1xi32> to vector<512x8xi32>
    %eq3A_366 = vector.broadcast %iota3A_235 : vector<1x8xi32> to vector<512x8xi32>
    %eq3A_367 = arith.cmpi eq, %eq3A_365, %eq3A_366 : vector<512x8xi32>
    %convert_element_type3A_368 = arith.extui %eq3A_367 : vector<512x8xi1> to vector<512x8xi32>
    %mul3A_369 = arith.constant 14 : i32
    %mul3A_370 = vector.broadcast %mul3A_369 : i32 to vector<512x8xi32>
    %mul3A_371 = arith.muli %mul3A_370, %convert_element_type3A_368 : vector<512x8xi32>
    %add3A_372 = arith.addi %add3A_363, %mul3A_371 : vector<512x8xi32>
    %slice3A_373 = vector.extract_strided_slice %add3A_215 {offsets = [0, 15], sizes = [512, 1], strides = [1, 1]} : vector<512x16xi32> to vector<512x1xi32>
    %eq3A_374 = vector.broadcast %slice3A_373 : vector<512x1xi32> to vector<512x8xi32>
    %eq3A_375 = vector.broadcast %iota3A_235 : vector<1x8xi32> to vector<512x8xi32>
    %eq3A_376 = arith.cmpi eq, %eq3A_374, %eq3A_375 : vector<512x8xi32>
    %convert_element_type3A_377 = arith.extui %eq3A_376 : vector<512x8xi1> to vector<512x8xi32>
    %mul3A_378 = arith.constant 15 : i32
    %mul3A_379 = vector.broadcast %mul3A_378 : i32 to vector<512x8xi32>
    %mul3A_380 = arith.muli %mul3A_379, %convert_element_type3A_377 : vector<512x8xi32>
    %add3A_381 = arith.addi %add3A_372, %mul3A_380 : vector<512x8xi32>
    %mul3A_382 = arith.constant 16 : i32
    %mul3A_383 = vector.broadcast %mul3A_382 : i32 to vector<512x1xi32>
    %mul3A_384 = arith.muli %mul3A_383, %add3A_234 : vector<512x1xi32>
    %add3A_385 = vector.broadcast %mul3A_384 : vector<512x1xi32> to vector<512x8xi32>
    %add3A_386 = arith.addi %add3A_381, %add3A_385 : vector<512x8xi32>
    %swap3A_387 = arith.constant 0 : index
    %swap3A_388 = arith.constant 0 : index
    %swap3A_389 = vector.load %arg7[%swap3A_387, %swap3A_388] : memref<512x8xi32, #tpu.memory_space<vmem>>, vector<512x8xi32>
    tpu.vector_store %arg7[%swap3A_387, %swap3A_388], %add3A_386 {strides = array<i32>} : memref<512x8xi32, #tpu.memory_space<vmem>>, vector<512x8xi32>,
    return
  }
  func.func @transform_0(%arg0: i32) -> (i32, i32) {
    %c0_i32 = arith.constant 0 : i32
    %c0_i32_0 = arith.constant 0 : i32
    return %arg0, %c0_i32 : i32, i32
  }
  func.func @transform_1(%arg0: i32) -> (i32, i32) {
    %c0_i32 = arith.constant 0 : i32
    %c0_i32_0 = arith.constant 0 : i32
    %c0_i32_1 = arith.constant 0 : i32
    return %c0_i32, %c0_i32_0 : i32, i32
  }
  func.func @transform_2(%arg0: i32) -> (i32, i32) {
    %c0_i32 = arith.constant 0 : i32
    %c0_i32_0 = arith.constant 0 : i32
    %c0_i32_1 = arith.constant 0 : i32
    return %c0_i32, %c0_i32_0 : i32, i32
  }
  func.func @transform_3(%arg0: i32) -> (i32, i32) {
    %c0_i32 = arith.constant 0 : i32
    %c0_i32_0 = arith.constant 0 : i32
    return %arg0, %c0_i32 : i32, i32
  }
  func.func @transform_4(%arg0: i32) -> (i32, i32) {
    %c0_i32 = arith.constant 0 : i32
    %c0_i32_0 = arith.constant 0 : i32
    return %arg0, %c0_i32 : i32, i32
  }
  func.func @transform_5(%arg0: i32) -> (i32, i32) {
    %c0_i32 = arith.constant 0 : i32
    %c0_i32_0 = arith.constant 0 : i32
    return %arg0, %c0_i32 : i32, i32
  }
  func.func @transform_6(%arg0: i32) -> (i32, i32) {
    %c0_i32 = arith.constant 0 : i32
    %c0_i32_0 = arith.constant 0 : i32
    return %arg0, %c0_i32 : i32, i32
  }
}

module attributes {stable_mosaic.version = 14 : i64} {
  func.func @_attn_combine_body(%arg0: i32, %arg1: i32, %arg2: memref<1024x128xf32, #tpu.memory_space<vmem>>, %arg3: memref<2048x128xbf16, #tpu.memory_space<vmem>>, %arg4: memref<2048x128xbf16, #tpu.memory_space<vmem>>, %arg5: memref<1024x16xi32, #tpu.memory_space<vmem>>, %arg6: memref<1024x16xf32, #tpu.memory_space<vmem>>, %arg7: memref<2048x1024xbf16, #tpu.memory_space<vmem>>, %arg8: memref<1024x1024xbf16, #tpu.memory_space<vmem>>, %arg9: memref<1x1024xf32, #tpu.memory_space<vmem>>, %arg10: memref<1024x1024xf32, #tpu.memory_space<vmem>>, %arg11: memref<1024x1024xf32, #tpu.memory_space<vmem>>) attributes {dimension_semantics = [#tpu.dimension_semantics<arbitrary>, #tpu.dimension_semantics<arbitrary>], iteration_bounds = array<i64: 2, 8>, scalar_prefetch = 0 : i64, scratch_operands = 1 : i64, tpu.core_type = #tpu.core_type<tc>, window_params = [{transform_indices = @transform_0, window_bounds = array<i64: 1024, 128>}, {transform_indices = @transform_1, window_bounds = array<i64: 2048, 128>}, {transform_indices = @transform_2, window_bounds = array<i64: 2048, 128>}, {transform_indices = @transform_3, window_bounds = array<i64: 1024, 16>}, {transform_indices = @transform_4, window_bounds = array<i64: 1024, 16>}, {pipeline_mode = #tpu.pipeline_mode<synchronous>, transform_indices = @transform_5, window_bounds = array<i64: 2048, 1024>}, {pipeline_mode = #tpu.pipeline_mode<synchronous>, transform_indices = @transform_6, window_bounds = array<i64: 1024, 1024>}, {pipeline_mode = #tpu.pipeline_mode<synchronous>, transform_indices = @transform_7, window_bounds = array<i64: 1, 1024>}, {transform_indices = @transform_8, window_bounds = array<i64: 1024, 1024>}]} {
    %get3A = arith.constant 0 : index
    %get3A_0 = arith.constant 0 : index
    %get3A_1 = vector.load %arg2[%get3A, %get3A_0] : memref<1024x128xf32, #tpu.memory_space<vmem>>, vector<1024x128xf32>
    %convert_element_type3A = arith.truncf %get3A_1 : vector<1024x128xf32> to vector<1024x128xbf16>
    %get3A_2 = arith.constant 0 : index
    %get3A_3 = arith.constant 0 : index
    %get3A_4 = vector.load %arg3[%get3A_2, %get3A_3] : memref<2048x128xbf16, #tpu.memory_space<vmem>>, vector<2048x128xbf16>
    %dot_general3A = arith.constant dense<0.000000e+00> : vector<1024x2048xf32>
    %dot_general3A_5 = tpu.matmul %convert_element_type3A, %get3A_4, %dot_general3A {dimension_numbers = #tpu.dot_dimension_numbers<[1], [1], [0], [0], [0, 0, 1, 0], [], []>, transpose_lhs_hint = false} : vector<1024x128xbf16>, vector<2048x128xbf16>, vector<1024x2048xf32> -> vector<1024x2048xf32>
    %exp3A = math.exp %dot_general3A_5 : vector<1024x2048xf32>
    %reduce_sum3A = arith.constant dense<0.000000e+00> : vector<1024xf32>
    %reduce_sum3A_6 = vector.multi_reduction <add>, %exp3A, %reduce_sum3A [1] : vector<1024x2048xf32> to vector<1024xf32>
    %broadcast_in_dim3A = vector.shape_cast %reduce_sum3A_6 : vector<1024xf32> to vector<1024x1xf32>
    %convert_element_type3A_7 = arith.truncf %exp3A : vector<1024x2048xf32> to vector<1024x2048xbf16>
    %get3A_8 = arith.constant 0 : index
    %get3A_9 = arith.constant 0 : index
    %get3A_10 = vector.load %arg4[%get3A_8, %get3A_9] : memref<2048x128xbf16, #tpu.memory_space<vmem>>, vector<2048x128xbf16>
    %dot_general3A_11 = arith.constant dense<0.000000e+00> : vector<1024x128xf32>
    %dot_general3A_12 = tpu.matmul %convert_element_type3A_7, %get3A_10, %dot_general3A_11 {dimension_numbers = #tpu.dot_dimension_numbers<[1], [0], [0], [1], [0, 0, 1, 1], [], []>, transpose_lhs_hint = false} : vector<1024x2048xbf16>, vector<2048x128xbf16>, vector<1024x128xf32> -> vector<1024x128xf32>
    %div3A = vector.broadcast %broadcast_in_dim3A : vector<1024x1xf32> to vector<1024x128xf32>
    %div3A_13 = arith.divf %dot_general3A_12, %div3A : vector<1024x128xf32>
    %mul3A = arith.constant 128 : i32
    %mul3A_14 = arith.muli %arg1, %mul3A : i32
    %swap3A = arith.constant 0 : index
    %swap3A_15 = arith.index_cast %mul3A_14 : i32 to index
    %swap3A_16 = vector.load %arg11[%swap3A, %swap3A_15] : memref<1024x1024xf32, #tpu.memory_space<vmem>>, vector<1024x128xf32>
    tpu.vector_store %arg11[%swap3A, %swap3A_15], %div3A_13 {strides = array<i32>} : memref<1024x1024xf32, #tpu.memory_space<vmem>>, vector<1024x128xf32>,
    %eq3A = arith.constant 7 : i32
    %eq3A_17 = arith.cmpi eq, %arg1, %eq3A : i32
    %convert_element_type3A_18 = arith.extui %eq3A_17 : i1 to i32
    %cond3A = arith.constant 0 : i32
    %cond3A_19 = arith.cmpi ne, %convert_element_type3A_18, %cond3A : i32
    scf.if %cond3A_19 {
      %get3A_20 = arith.constant 0 : index
      %get3A_21 = arith.constant 0 : index
      %get3A_22 = vector.load %arg11[%get3A_20, %get3A_21] : memref<1024x1024xf32, #tpu.memory_space<vmem>>, vector<1024x1024xf32>
      %get3A_23 = arith.constant 0 : index
      %get3A_24 = arith.constant 0 : index
      %get3A_25 = vector.load %arg5[%get3A_23, %get3A_24] : memref<1024x16xi32, #tpu.memory_space<vmem>>, vector<1024x16xi32>
      %get3A_26 = arith.constant 0 : index
      %get3A_27 = arith.constant 0 : index
      %get3A_28 = vector.load %arg6[%get3A_26, %get3A_27] : memref<1024x16xf32, #tpu.memory_space<vmem>>, vector<1024x16xf32>
      %slice3A = vector.extract_strided_slice %get3A_25 {offsets = [0, 0], sizes = [1024, 1], strides = [1, 1]} : vector<1024x16xi32> to vector<1024x1xi32>
      %broadcast_in_dim3A_29 = vector.shape_cast %slice3A : vector<1024x1xi32> to vector<1024x1xi32>
      %broadcast_in_dim3A_30 = vector.broadcast %broadcast_in_dim3A_29 : vector<1024x1xi32> to vector<1024x128xi32>
      %broadcast_in_dim3A_31 = arith.constant 0.000000e+00 : f32
      %broadcast_in_dim3A_32 = vector.broadcast %broadcast_in_dim3A_31 : f32 to vector<1024x128xf32>
      %slice3A_33 = vector.extract_strided_slice %get3A_22 {offsets = [0, 0], sizes = [1024, 128], strides = [1, 1]} : vector<1024x1024xf32> to vector<1024x128xf32>
      %eq3A_34 = arith.constant 0 : i32
      %eq3A_35 = vector.broadcast %eq3A_34 : i32 to vector<1024x128xi32>
      %eq3A_36 = arith.cmpi eq, %broadcast_in_dim3A_30, %eq3A_35 : vector<1024x128xi32>
      %add3A = arith.addf %broadcast_in_dim3A_32, %slice3A_33 : vector<1024x128xf32>
      %select_n3A = arith.select %eq3A_36, %add3A, %broadcast_in_dim3A_32 : vector<1024x128xi1>, vector<1024x128xf32>
      %slice3A_37 = vector.extract_strided_slice %get3A_22 {offsets = [0, 128], sizes = [1024, 128], strides = [1, 1]} : vector<1024x1024xf32> to vector<1024x128xf32>
      %eq3A_38 = arith.constant 1 : i32
      %eq3A_39 = vector.broadcast %eq3A_38 : i32 to vector<1024x128xi32>
      %eq3A_40 = arith.cmpi eq, %broadcast_in_dim3A_30, %eq3A_39 : vector<1024x128xi32>
      %add3A_41 = arith.addf %select_n3A, %slice3A_37 : vector<1024x128xf32>
      %select_n3A_42 = arith.select %eq3A_40, %add3A_41, %select_n3A : vector<1024x128xi1>, vector<1024x128xf32>
      %slice3A_43 = vector.extract_strided_slice %get3A_22 {offsets = [0, 256], sizes = [1024, 128], strides = [1, 1]} : vector<1024x1024xf32> to vector<1024x128xf32>
      %eq3A_44 = arith.constant 2 : i32
      %eq3A_45 = vector.broadcast %eq3A_44 : i32 to vector<1024x128xi32>
      %eq3A_46 = arith.cmpi eq, %broadcast_in_dim3A_30, %eq3A_45 : vector<1024x128xi32>
      %add3A_47 = arith.addf %select_n3A_42, %slice3A_43 : vector<1024x128xf32>
      %select_n3A_48 = arith.select %eq3A_46, %add3A_47, %select_n3A_42 : vector<1024x128xi1>, vector<1024x128xf32>
      %slice3A_49 = vector.extract_strided_slice %get3A_22 {offsets = [0, 384], sizes = [1024, 128], strides = [1, 1]} : vector<1024x1024xf32> to vector<1024x128xf32>
      %eq3A_50 = arith.constant 3 : i32
      %eq3A_51 = vector.broadcast %eq3A_50 : i32 to vector<1024x128xi32>
      %eq3A_52 = arith.cmpi eq, %broadcast_in_dim3A_30, %eq3A_51 : vector<1024x128xi32>
      %add3A_53 = arith.addf %select_n3A_48, %slice3A_49 : vector<1024x128xf32>
      %select_n3A_54 = arith.select %eq3A_52, %add3A_53, %select_n3A_48 : vector<1024x128xi1>, vector<1024x128xf32>
      %slice3A_55 = vector.extract_strided_slice %get3A_22 {offsets = [0, 512], sizes = [1024, 128], strides = [1, 1]} : vector<1024x1024xf32> to vector<1024x128xf32>
      %eq3A_56 = arith.constant 4 : i32
      %eq3A_57 = vector.broadcast %eq3A_56 : i32 to vector<1024x128xi32>
      %eq3A_58 = arith.cmpi eq, %broadcast_in_dim3A_30, %eq3A_57 : vector<1024x128xi32>
      %add3A_59 = arith.addf %select_n3A_54, %slice3A_55 : vector<1024x128xf32>
      %select_n3A_60 = arith.select %eq3A_58, %add3A_59, %select_n3A_54 : vector<1024x128xi1>, vector<1024x128xf32>
      %slice3A_61 = vector.extract_strided_slice %get3A_22 {offsets = [0, 640], sizes = [1024, 128], strides = [1, 1]} : vector<1024x1024xf32> to vector<1024x128xf32>
      %eq3A_62 = arith.constant 5 : i32
      %eq3A_63 = vector.broadcast %eq3A_62 : i32 to vector<1024x128xi32>
      %eq3A_64 = arith.cmpi eq, %broadcast_in_dim3A_30, %eq3A_63 : vector<1024x128xi32>
      %add3A_65 = arith.addf %select_n3A_60, %slice3A_61 : vector<1024x128xf32>
      %select_n3A_66 = arith.select %eq3A_64, %add3A_65, %select_n3A_60 : vector<1024x128xi1>, vector<1024x128xf32>
      %slice3A_67 = vector.extract_strided_slice %get3A_22 {offsets = [0, 768], sizes = [1024, 128], strides = [1, 1]} : vector<1024x1024xf32> to vector<1024x128xf32>
      %eq3A_68 = arith.constant 6 : i32
      %eq3A_69 = vector.broadcast %eq3A_68 : i32 to vector<1024x128xi32>
      %eq3A_70 = arith.cmpi eq, %broadcast_in_dim3A_30, %eq3A_69 : vector<1024x128xi32>
      %add3A_71 = arith.addf %select_n3A_66, %slice3A_67 : vector<1024x128xf32>
      %select_n3A_72 = arith.select %eq3A_70, %add3A_71, %select_n3A_66 : vector<1024x128xi1>, vector<1024x128xf32>
      %slice3A_73 = vector.extract_strided_slice %get3A_22 {offsets = [0, 896], sizes = [1024, 128], strides = [1, 1]} : vector<1024x1024xf32> to vector<1024x128xf32>
      %eq3A_74 = arith.constant 7 : i32
      %eq3A_75 = vector.broadcast %eq3A_74 : i32 to vector<1024x128xi32>
      %eq3A_76 = arith.cmpi eq, %broadcast_in_dim3A_30, %eq3A_75 : vector<1024x128xi32>
      %add3A_77 = arith.addf %select_n3A_72, %slice3A_73 : vector<1024x128xf32>
      %select_n3A_78 = arith.select %eq3A_76, %add3A_77, %select_n3A_72 : vector<1024x128xi1>, vector<1024x128xf32>
      %slice3A_79 = vector.extract_strided_slice %get3A_28 {offsets = [0, 0], sizes = [1024, 1], strides = [1, 1]} : vector<1024x16xf32> to vector<1024x1xf32>
      %mul3A_80 = vector.broadcast %slice3A_79 : vector<1024x1xf32> to vector<1024x128xf32>
      %mul3A_81 = arith.mulf %select_n3A_78, %mul3A_80 : vector<1024x128xf32>
      %convert_element_type3A_82 = arith.truncf %mul3A_81 : vector<1024x128xf32> to vector<1024x128xbf16>
      %slice3A_83 = vector.extract_strided_slice %get3A_25 {offsets = [0, 1], sizes = [1024, 1], strides = [1, 1]} : vector<1024x16xi32> to vector<1024x1xi32>
      %broadcast_in_dim3A_84 = vector.shape_cast %slice3A_83 : vector<1024x1xi32> to vector<1024x1xi32>
      %broadcast_in_dim3A_85 = vector.broadcast %broadcast_in_dim3A_84 : vector<1024x1xi32> to vector<1024x128xi32>
      %broadcast_in_dim3A_86 = arith.constant 0.000000e+00 : f32
      %broadcast_in_dim3A_87 = vector.broadcast %broadcast_in_dim3A_86 : f32 to vector<1024x128xf32>
      %slice3A_88 = vector.extract_strided_slice %get3A_22 {offsets = [0, 0], sizes = [1024, 128], strides = [1, 1]} : vector<1024x1024xf32> to vector<1024x128xf32>
      %eq3A_89 = arith.constant 0 : i32
      %eq3A_90 = vector.broadcast %eq3A_89 : i32 to vector<1024x128xi32>
      %eq3A_91 = arith.cmpi eq, %broadcast_in_dim3A_85, %eq3A_90 : vector<1024x128xi32>
      %add3A_92 = arith.addf %broadcast_in_dim3A_87, %slice3A_88 : vector<1024x128xf32>
      %select_n3A_93 = arith.select %eq3A_91, %add3A_92, %broadcast_in_dim3A_87 : vector<1024x128xi1>, vector<1024x128xf32>
      %slice3A_94 = vector.extract_strided_slice %get3A_22 {offsets = [0, 128], sizes = [1024, 128], strides = [1, 1]} : vector<1024x1024xf32> to vector<1024x128xf32>
      %eq3A_95 = arith.constant 1 : i32
      %eq3A_96 = vector.broadcast %eq3A_95 : i32 to vector<1024x128xi32>
      %eq3A_97 = arith.cmpi eq, %broadcast_in_dim3A_85, %eq3A_96 : vector<1024x128xi32>
      %add3A_98 = arith.addf %select_n3A_93, %slice3A_94 : vector<1024x128xf32>
      %select_n3A_99 = arith.select %eq3A_97, %add3A_98, %select_n3A_93 : vector<1024x128xi1>, vector<1024x128xf32>
      %slice3A_100 = vector.extract_strided_slice %get3A_22 {offsets = [0, 256], sizes = [1024, 128], strides = [1, 1]} : vector<1024x1024xf32> to vector<1024x128xf32>
      %eq3A_101 = arith.constant 2 : i32
      %eq3A_102 = vector.broadcast %eq3A_101 : i32 to vector<1024x128xi32>
      %eq3A_103 = arith.cmpi eq, %broadcast_in_dim3A_85, %eq3A_102 : vector<1024x128xi32>
      %add3A_104 = arith.addf %select_n3A_99, %slice3A_100 : vector<1024x128xf32>
      %select_n3A_105 = arith.select %eq3A_103, %add3A_104, %select_n3A_99 : vector<1024x128xi1>, vector<1024x128xf32>
      %slice3A_106 = vector.extract_strided_slice %get3A_22 {offsets = [0, 384], sizes = [1024, 128], strides = [1, 1]} : vector<1024x1024xf32> to vector<1024x128xf32>
      %eq3A_107 = arith.constant 3 : i32
      %eq3A_108 = vector.broadcast %eq3A_107 : i32 to vector<1024x128xi32>
      %eq3A_109 = arith.cmpi eq, %broadcast_in_dim3A_85, %eq3A_108 : vector<1024x128xi32>
      %add3A_110 = arith.addf %select_n3A_105, %slice3A_106 : vector<1024x128xf32>
      %select_n3A_111 = arith.select %eq3A_109, %add3A_110, %select_n3A_105 : vector<1024x128xi1>, vector<1024x128xf32>
      %slice3A_112 = vector.extract_strided_slice %get3A_22 {offsets = [0, 512], sizes = [1024, 128], strides = [1, 1]} : vector<1024x1024xf32> to vector<1024x128xf32>
      %eq3A_113 = arith.constant 4 : i32
      %eq3A_114 = vector.broadcast %eq3A_113 : i32 to vector<1024x128xi32>
      %eq3A_115 = arith.cmpi eq, %broadcast_in_dim3A_85, %eq3A_114 : vector<1024x128xi32>
      %add3A_116 = arith.addf %select_n3A_111, %slice3A_112 : vector<1024x128xf32>
      %select_n3A_117 = arith.select %eq3A_115, %add3A_116, %select_n3A_111 : vector<1024x128xi1>, vector<1024x128xf32>
      %slice3A_118 = vector.extract_strided_slice %get3A_22 {offsets = [0, 640], sizes = [1024, 128], strides = [1, 1]} : vector<1024x1024xf32> to vector<1024x128xf32>
      %eq3A_119 = arith.constant 5 : i32
      %eq3A_120 = vector.broadcast %eq3A_119 : i32 to vector<1024x128xi32>
      %eq3A_121 = arith.cmpi eq, %broadcast_in_dim3A_85, %eq3A_120 : vector<1024x128xi32>
      %add3A_122 = arith.addf %select_n3A_117, %slice3A_118 : vector<1024x128xf32>
      %select_n3A_123 = arith.select %eq3A_121, %add3A_122, %select_n3A_117 : vector<1024x128xi1>, vector<1024x128xf32>
      %slice3A_124 = vector.extract_strided_slice %get3A_22 {offsets = [0, 768], sizes = [1024, 128], strides = [1, 1]} : vector<1024x1024xf32> to vector<1024x128xf32>
      %eq3A_125 = arith.constant 6 : i32
      %eq3A_126 = vector.broadcast %eq3A_125 : i32 to vector<1024x128xi32>
      %eq3A_127 = arith.cmpi eq, %broadcast_in_dim3A_85, %eq3A_126 : vector<1024x128xi32>
      %add3A_128 = arith.addf %select_n3A_123, %slice3A_124 : vector<1024x128xf32>
      %select_n3A_129 = arith.select %eq3A_127, %add3A_128, %select_n3A_123 : vector<1024x128xi1>, vector<1024x128xf32>
      %slice3A_130 = vector.extract_strided_slice %get3A_22 {offsets = [0, 896], sizes = [1024, 128], strides = [1, 1]} : vector<1024x1024xf32> to vector<1024x128xf32>
      %eq3A_131 = arith.constant 7 : i32
      %eq3A_132 = vector.broadcast %eq3A_131 : i32 to vector<1024x128xi32>
      %eq3A_133 = arith.cmpi eq, %broadcast_in_dim3A_85, %eq3A_132 : vector<1024x128xi32>
      %add3A_134 = arith.addf %select_n3A_129, %slice3A_130 : vector<1024x128xf32>
      %select_n3A_135 = arith.select %eq3A_133, %add3A_134, %select_n3A_129 : vector<1024x128xi1>, vector<1024x128xf32>
      %slice3A_136 = vector.extract_strided_slice %get3A_28 {offsets = [0, 1], sizes = [1024, 1], strides = [1, 1]} : vector<1024x16xf32> to vector<1024x1xf32>
      %mul3A_137 = vector.broadcast %slice3A_136 : vector<1024x1xf32> to vector<1024x128xf32>
      %mul3A_138 = arith.mulf %select_n3A_135, %mul3A_137 : vector<1024x128xf32>
      %convert_element_type3A_139 = arith.truncf %mul3A_138 : vector<1024x128xf32> to vector<1024x128xbf16>
      %slice3A_140 = vector.extract_strided_slice %get3A_25 {offsets = [0, 2], sizes = [1024, 1], strides = [1, 1]} : vector<1024x16xi32> to vector<1024x1xi32>
      %broadcast_in_dim3A_141 = vector.shape_cast %slice3A_140 : vector<1024x1xi32> to vector<1024x1xi32>
      %broadcast_in_dim3A_142 = vector.broadcast %broadcast_in_dim3A_141 : vector<1024x1xi32> to vector<1024x128xi32>
      %broadcast_in_dim3A_143 = arith.constant 0.000000e+00 : f32
      %broadcast_in_dim3A_144 = vector.broadcast %broadcast_in_dim3A_143 : f32 to vector<1024x128xf32>
      %slice3A_145 = vector.extract_strided_slice %get3A_22 {offsets = [0, 0], sizes = [1024, 128], strides = [1, 1]} : vector<1024x1024xf32> to vector<1024x128xf32>
      %eq3A_146 = arith.constant 0 : i32
      %eq3A_147 = vector.broadcast %eq3A_146 : i32 to vector<1024x128xi32>
      %eq3A_148 = arith.cmpi eq, %broadcast_in_dim3A_142, %eq3A_147 : vector<1024x128xi32>
      %add3A_149 = arith.addf %broadcast_in_dim3A_144, %slice3A_145 : vector<1024x128xf32>
      %select_n3A_150 = arith.select %eq3A_148, %add3A_149, %broadcast_in_dim3A_144 : vector<1024x128xi1>, vector<1024x128xf32>
      %slice3A_151 = vector.extract_strided_slice %get3A_22 {offsets = [0, 128], sizes = [1024, 128], strides = [1, 1]} : vector<1024x1024xf32> to vector<1024x128xf32>
      %eq3A_152 = arith.constant 1 : i32
      %eq3A_153 = vector.broadcast %eq3A_152 : i32 to vector<1024x128xi32>
      %eq3A_154 = arith.cmpi eq, %broadcast_in_dim3A_142, %eq3A_153 : vector<1024x128xi32>
      %add3A_155 = arith.addf %select_n3A_150, %slice3A_151 : vector<1024x128xf32>
      %select_n3A_156 = arith.select %eq3A_154, %add3A_155, %select_n3A_150 : vector<1024x128xi1>, vector<1024x128xf32>
      %slice3A_157 = vector.extract_strided_slice %get3A_22 {offsets = [0, 256], sizes = [1024, 128], strides = [1, 1]} : vector<1024x1024xf32> to vector<1024x128xf32>
      %eq3A_158 = arith.constant 2 : i32
      %eq3A_159 = vector.broadcast %eq3A_158 : i32 to vector<1024x128xi32>
      %eq3A_160 = arith.cmpi eq, %broadcast_in_dim3A_142, %eq3A_159 : vector<1024x128xi32>
      %add3A_161 = arith.addf %select_n3A_156, %slice3A_157 : vector<1024x128xf32>
      %select_n3A_162 = arith.select %eq3A_160, %add3A_161, %select_n3A_156 : vector<1024x128xi1>, vector<1024x128xf32>
      %slice3A_163 = vector.extract_strided_slice %get3A_22 {offsets = [0, 384], sizes = [1024, 128], strides = [1, 1]} : vector<1024x1024xf32> to vector<1024x128xf32>
      %eq3A_164 = arith.constant 3 : i32
      %eq3A_165 = vector.broadcast %eq3A_164 : i32 to vector<1024x128xi32>
      %eq3A_166 = arith.cmpi eq, %broadcast_in_dim3A_142, %eq3A_165 : vector<1024x128xi32>
      %add3A_167 = arith.addf %select_n3A_162, %slice3A_163 : vector<1024x128xf32>
      %select_n3A_168 = arith.select %eq3A_166, %add3A_167, %select_n3A_162 : vector<1024x128xi1>, vector<1024x128xf32>
      %slice3A_169 = vector.extract_strided_slice %get3A_22 {offsets = [0, 512], sizes = [1024, 128], strides = [1, 1]} : vector<1024x1024xf32> to vector<1024x128xf32>
      %eq3A_170 = arith.constant 4 : i32
      %eq3A_171 = vector.broadcast %eq3A_170 : i32 to vector<1024x128xi32>
      %eq3A_172 = arith.cmpi eq, %broadcast_in_dim3A_142, %eq3A_171 : vector<1024x128xi32>
      %add3A_173 = arith.addf %select_n3A_168, %slice3A_169 : vector<1024x128xf32>
      %select_n3A_174 = arith.select %eq3A_172, %add3A_173, %select_n3A_168 : vector<1024x128xi1>, vector<1024x128xf32>
      %slice3A_175 = vector.extract_strided_slice %get3A_22 {offsets = [0, 640], sizes = [1024, 128], strides = [1, 1]} : vector<1024x1024xf32> to vector<1024x128xf32>
      %eq3A_176 = arith.constant 5 : i32
      %eq3A_177 = vector.broadcast %eq3A_176 : i32 to vector<1024x128xi32>
      %eq3A_178 = arith.cmpi eq, %broadcast_in_dim3A_142, %eq3A_177 : vector<1024x128xi32>
      %add3A_179 = arith.addf %select_n3A_174, %slice3A_175 : vector<1024x128xf32>
      %select_n3A_180 = arith.select %eq3A_178, %add3A_179, %select_n3A_174 : vector<1024x128xi1>, vector<1024x128xf32>
      %slice3A_181 = vector.extract_strided_slice %get3A_22 {offsets = [0, 768], sizes = [1024, 128], strides = [1, 1]} : vector<1024x1024xf32> to vector<1024x128xf32>
      %eq3A_182 = arith.constant 6 : i32
      %eq3A_183 = vector.broadcast %eq3A_182 : i32 to vector<1024x128xi32>
      %eq3A_184 = arith.cmpi eq, %broadcast_in_dim3A_142, %eq3A_183 : vector<1024x128xi32>
      %add3A_185 = arith.addf %select_n3A_180, %slice3A_181 : vector<1024x128xf32>
      %select_n3A_186 = arith.select %eq3A_184, %add3A_185, %select_n3A_180 : vector<1024x128xi1>, vector<1024x128xf32>
      %slice3A_187 = vector.extract_strided_slice %get3A_22 {offsets = [0, 896], sizes = [1024, 128], strides = [1, 1]} : vector<1024x1024xf32> to vector<1024x128xf32>
      %eq3A_188 = arith.constant 7 : i32
      %eq3A_189 = vector.broadcast %eq3A_188 : i32 to vector<1024x128xi32>
      %eq3A_190 = arith.cmpi eq, %broadcast_in_dim3A_142, %eq3A_189 : vector<1024x128xi32>
      %add3A_191 = arith.addf %select_n3A_186, %slice3A_187 : vector<1024x128xf32>
      %select_n3A_192 = arith.select %eq3A_190, %add3A_191, %select_n3A_186 : vector<1024x128xi1>, vector<1024x128xf32>
      %slice3A_193 = vector.extract_strided_slice %get3A_28 {offsets = [0, 2], sizes = [1024, 1], strides = [1, 1]} : vector<1024x16xf32> to vector<1024x1xf32>
      %mul3A_194 = vector.broadcast %slice3A_193 : vector<1024x1xf32> to vector<1024x128xf32>
      %mul3A_195 = arith.mulf %select_n3A_192, %mul3A_194 : vector<1024x128xf32>
      %convert_element_type3A_196 = arith.truncf %mul3A_195 : vector<1024x128xf32> to vector<1024x128xbf16>
      %slice3A_197 = vector.extract_strided_slice %get3A_25 {offsets = [0, 3], sizes = [1024, 1], strides = [1, 1]} : vector<1024x16xi32> to vector<1024x1xi32>
      %broadcast_in_dim3A_198 = vector.shape_cast %slice3A_197 : vector<1024x1xi32> to vector<1024x1xi32>
      %broadcast_in_dim3A_199 = vector.broadcast %broadcast_in_dim3A_198 : vector<1024x1xi32> to vector<1024x128xi32>
      %broadcast_in_dim3A_200 = arith.constant 0.000000e+00 : f32
      %broadcast_in_dim3A_201 = vector.broadcast %broadcast_in_dim3A_200 : f32 to vector<1024x128xf32>
      %slice3A_202 = vector.extract_strided_slice %get3A_22 {offsets = [0, 0], sizes = [1024, 128], strides = [1, 1]} : vector<1024x1024xf32> to vector<1024x128xf32>
      %eq3A_203 = arith.constant 0 : i32
      %eq3A_204 = vector.broadcast %eq3A_203 : i32 to vector<1024x128xi32>
      %eq3A_205 = arith.cmpi eq, %broadcast_in_dim3A_199, %eq3A_204 : vector<1024x128xi32>
      %add3A_206 = arith.addf %broadcast_in_dim3A_201, %slice3A_202 : vector<1024x128xf32>
      %select_n3A_207 = arith.select %eq3A_205, %add3A_206, %broadcast_in_dim3A_201 : vector<1024x128xi1>, vector<1024x128xf32>
      %slice3A_208 = vector.extract_strided_slice %get3A_22 {offsets = [0, 128], sizes = [1024, 128], strides = [1, 1]} : vector<1024x1024xf32> to vector<1024x128xf32>
      %eq3A_209 = arith.constant 1 : i32
      %eq3A_210 = vector.broadcast %eq3A_209 : i32 to vector<1024x128xi32>
      %eq3A_211 = arith.cmpi eq, %broadcast_in_dim3A_199, %eq3A_210 : vector<1024x128xi32>
      %add3A_212 = arith.addf %select_n3A_207, %slice3A_208 : vector<1024x128xf32>
      %select_n3A_213 = arith.select %eq3A_211, %add3A_212, %select_n3A_207 : vector<1024x128xi1>, vector<1024x128xf32>
      %slice3A_214 = vector.extract_strided_slice %get3A_22 {offsets = [0, 256], sizes = [1024, 128], strides = [1, 1]} : vector<1024x1024xf32> to vector<1024x128xf32>
      %eq3A_215 = arith.constant 2 : i32
      %eq3A_216 = vector.broadcast %eq3A_215 : i32 to vector<1024x128xi32>
      %eq3A_217 = arith.cmpi eq, %broadcast_in_dim3A_199, %eq3A_216 : vector<1024x128xi32>
      %add3A_218 = arith.addf %select_n3A_213, %slice3A_214 : vector<1024x128xf32>
      %select_n3A_219 = arith.select %eq3A_217, %add3A_218, %select_n3A_213 : vector<1024x128xi1>, vector<1024x128xf32>
      %slice3A_220 = vector.extract_strided_slice %get3A_22 {offsets = [0, 384], sizes = [1024, 128], strides = [1, 1]} : vector<1024x1024xf32> to vector<1024x128xf32>
      %eq3A_221 = arith.constant 3 : i32
      %eq3A_222 = vector.broadcast %eq3A_221 : i32 to vector<1024x128xi32>
      %eq3A_223 = arith.cmpi eq, %broadcast_in_dim3A_199, %eq3A_222 : vector<1024x128xi32>
      %add3A_224 = arith.addf %select_n3A_219, %slice3A_220 : vector<1024x128xf32>
      %select_n3A_225 = arith.select %eq3A_223, %add3A_224, %select_n3A_219 : vector<1024x128xi1>, vector<1024x128xf32>
      %slice3A_226 = vector.extract_strided_slice %get3A_22 {offsets = [0, 512], sizes = [1024, 128], strides = [1, 1]} : vector<1024x1024xf32> to vector<1024x128xf32>
      %eq3A_227 = arith.constant 4 : i32
      %eq3A_228 = vector.broadcast %eq3A_227 : i32 to vector<1024x128xi32>
      %eq3A_229 = arith.cmpi eq, %broadcast_in_dim3A_199, %eq3A_228 : vector<1024x128xi32>
      %add3A_230 = arith.addf %select_n3A_225, %slice3A_226 : vector<1024x128xf32>
      %select_n3A_231 = arith.select %eq3A_229, %add3A_230, %select_n3A_225 : vector<1024x128xi1>, vector<1024x128xf32>
      %slice3A_232 = vector.extract_strided_slice %get3A_22 {offsets = [0, 640], sizes = [1024, 128], strides = [1, 1]} : vector<1024x1024xf32> to vector<1024x128xf32>
      %eq3A_233 = arith.constant 5 : i32
      %eq3A_234 = vector.broadcast %eq3A_233 : i32 to vector<1024x128xi32>
      %eq3A_235 = arith.cmpi eq, %broadcast_in_dim3A_199, %eq3A_234 : vector<1024x128xi32>
      %add3A_236 = arith.addf %select_n3A_231, %slice3A_232 : vector<1024x128xf32>
      %select_n3A_237 = arith.select %eq3A_235, %add3A_236, %select_n3A_231 : vector<1024x128xi1>, vector<1024x128xf32>
      %slice3A_238 = vector.extract_strided_slice %get3A_22 {offsets = [0, 768], sizes = [1024, 128], strides = [1, 1]} : vector<1024x1024xf32> to vector<1024x128xf32>
      %eq3A_239 = arith.constant 6 : i32
      %eq3A_240 = vector.broadcast %eq3A_239 : i32 to vector<1024x128xi32>
      %eq3A_241 = arith.cmpi eq, %broadcast_in_dim3A_199, %eq3A_240 : vector<1024x128xi32>
      %add3A_242 = arith.addf %select_n3A_237, %slice3A_238 : vector<1024x128xf32>
      %select_n3A_243 = arith.select %eq3A_241, %add3A_242, %select_n3A_237 : vector<1024x128xi1>, vector<1024x128xf32>
      %slice3A_244 = vector.extract_strided_slice %get3A_22 {offsets = [0, 896], sizes = [1024, 128], strides = [1, 1]} : vector<1024x1024xf32> to vector<1024x128xf32>
      %eq3A_245 = arith.constant 7 : i32
      %eq3A_246 = vector.broadcast %eq3A_245 : i32 to vector<1024x128xi32>
      %eq3A_247 = arith.cmpi eq, %broadcast_in_dim3A_199, %eq3A_246 : vector<1024x128xi32>
      %add3A_248 = arith.addf %select_n3A_243, %slice3A_244 : vector<1024x128xf32>
      %select_n3A_249 = arith.select %eq3A_247, %add3A_248, %select_n3A_243 : vector<1024x128xi1>, vector<1024x128xf32>
      %slice3A_250 = vector.extract_strided_slice %get3A_28 {offsets = [0, 3], sizes = [1024, 1], strides = [1, 1]} : vector<1024x16xf32> to vector<1024x1xf32>
      %mul3A_251 = vector.broadcast %slice3A_250 : vector<1024x1xf32> to vector<1024x128xf32>
      %mul3A_252 = arith.mulf %select_n3A_249, %mul3A_251 : vector<1024x128xf32>
      %convert_element_type3A_253 = arith.truncf %mul3A_252 : vector<1024x128xf32> to vector<1024x128xbf16>
      %slice3A_254 = vector.extract_strided_slice %get3A_25 {offsets = [0, 4], sizes = [1024, 1], strides = [1, 1]} : vector<1024x16xi32> to vector<1024x1xi32>
      %broadcast_in_dim3A_255 = vector.shape_cast %slice3A_254 : vector<1024x1xi32> to vector<1024x1xi32>
      %broadcast_in_dim3A_256 = vector.broadcast %broadcast_in_dim3A_255 : vector<1024x1xi32> to vector<1024x128xi32>
      %broadcast_in_dim3A_257 = arith.constant 0.000000e+00 : f32
      %broadcast_in_dim3A_258 = vector.broadcast %broadcast_in_dim3A_257 : f32 to vector<1024x128xf32>
      %slice3A_259 = vector.extract_strided_slice %get3A_22 {offsets = [0, 0], sizes = [1024, 128], strides = [1, 1]} : vector<1024x1024xf32> to vector<1024x128xf32>
      %eq3A_260 = arith.constant 0 : i32
      %eq3A_261 = vector.broadcast %eq3A_260 : i32 to vector<1024x128xi32>
      %eq3A_262 = arith.cmpi eq, %broadcast_in_dim3A_256, %eq3A_261 : vector<1024x128xi32>
      %add3A_263 = arith.addf %broadcast_in_dim3A_258, %slice3A_259 : vector<1024x128xf32>
      %select_n3A_264 = arith.select %eq3A_262, %add3A_263, %broadcast_in_dim3A_258 : vector<1024x128xi1>, vector<1024x128xf32>
      %slice3A_265 = vector.extract_strided_slice %get3A_22 {offsets = [0, 128], sizes = [1024, 128], strides = [1, 1]} : vector<1024x1024xf32> to vector<1024x128xf32>
      %eq3A_266 = arith.constant 1 : i32
      %eq3A_267 = vector.broadcast %eq3A_266 : i32 to vector<1024x128xi32>
      %eq3A_268 = arith.cmpi eq, %broadcast_in_dim3A_256, %eq3A_267 : vector<1024x128xi32>
      %add3A_269 = arith.addf %select_n3A_264, %slice3A_265 : vector<1024x128xf32>
      %select_n3A_270 = arith.select %eq3A_268, %add3A_269, %select_n3A_264 : vector<1024x128xi1>, vector<1024x128xf32>
      %slice3A_271 = vector.extract_strided_slice %get3A_22 {offsets = [0, 256], sizes = [1024, 128], strides = [1, 1]} : vector<1024x1024xf32> to vector<1024x128xf32>
      %eq3A_272 = arith.constant 2 : i32
      %eq3A_273 = vector.broadcast %eq3A_272 : i32 to vector<1024x128xi32>
      %eq3A_274 = arith.cmpi eq, %broadcast_in_dim3A_256, %eq3A_273 : vector<1024x128xi32>
      %add3A_275 = arith.addf %select_n3A_270, %slice3A_271 : vector<1024x128xf32>
      %select_n3A_276 = arith.select %eq3A_274, %add3A_275, %select_n3A_270 : vector<1024x128xi1>, vector<1024x128xf32>
      %slice3A_277 = vector.extract_strided_slice %get3A_22 {offsets = [0, 384], sizes = [1024, 128], strides = [1, 1]} : vector<1024x1024xf32> to vector<1024x128xf32>
      %eq3A_278 = arith.constant 3 : i32
      %eq3A_279 = vector.broadcast %eq3A_278 : i32 to vector<1024x128xi32>
      %eq3A_280 = arith.cmpi eq, %broadcast_in_dim3A_256, %eq3A_279 : vector<1024x128xi32>
      %add3A_281 = arith.addf %select_n3A_276, %slice3A_277 : vector<1024x128xf32>
      %select_n3A_282 = arith.select %eq3A_280, %add3A_281, %select_n3A_276 : vector<1024x128xi1>, vector<1024x128xf32>
      %slice3A_283 = vector.extract_strided_slice %get3A_22 {offsets = [0, 512], sizes = [1024, 128], strides = [1, 1]} : vector<1024x1024xf32> to vector<1024x128xf32>
      %eq3A_284 = arith.constant 4 : i32
      %eq3A_285 = vector.broadcast %eq3A_284 : i32 to vector<1024x128xi32>
      %eq3A_286 = arith.cmpi eq, %broadcast_in_dim3A_256, %eq3A_285 : vector<1024x128xi32>
      %add3A_287 = arith.addf %select_n3A_282, %slice3A_283 : vector<1024x128xf32>
      %select_n3A_288 = arith.select %eq3A_286, %add3A_287, %select_n3A_282 : vector<1024x128xi1>, vector<1024x128xf32>
      %slice3A_289 = vector.extract_strided_slice %get3A_22 {offsets = [0, 640], sizes = [1024, 128], strides = [1, 1]} : vector<1024x1024xf32> to vector<1024x128xf32>
      %eq3A_290 = arith.constant 5 : i32
      %eq3A_291 = vector.broadcast %eq3A_290 : i32 to vector<1024x128xi32>
      %eq3A_292 = arith.cmpi eq, %broadcast_in_dim3A_256, %eq3A_291 : vector<1024x128xi32>
      %add3A_293 = arith.addf %select_n3A_288, %slice3A_289 : vector<1024x128xf32>
      %select_n3A_294 = arith.select %eq3A_292, %add3A_293, %select_n3A_288 : vector<1024x128xi1>, vector<1024x128xf32>
      %slice3A_295 = vector.extract_strided_slice %get3A_22 {offsets = [0, 768], sizes = [1024, 128], strides = [1, 1]} : vector<1024x1024xf32> to vector<1024x128xf32>
      %eq3A_296 = arith.constant 6 : i32
      %eq3A_297 = vector.broadcast %eq3A_296 : i32 to vector<1024x128xi32>
      %eq3A_298 = arith.cmpi eq, %broadcast_in_dim3A_256, %eq3A_297 : vector<1024x128xi32>
      %add3A_299 = arith.addf %select_n3A_294, %slice3A_295 : vector<1024x128xf32>
      %select_n3A_300 = arith.select %eq3A_298, %add3A_299, %select_n3A_294 : vector<1024x128xi1>, vector<1024x128xf32>
      %slice3A_301 = vector.extract_strided_slice %get3A_22 {offsets = [0, 896], sizes = [1024, 128], strides = [1, 1]} : vector<1024x1024xf32> to vector<1024x128xf32>
      %eq3A_302 = arith.constant 7 : i32
      %eq3A_303 = vector.broadcast %eq3A_302 : i32 to vector<1024x128xi32>
      %eq3A_304 = arith.cmpi eq, %broadcast_in_dim3A_256, %eq3A_303 : vector<1024x128xi32>
      %add3A_305 = arith.addf %select_n3A_300, %slice3A_301 : vector<1024x128xf32>
      %select_n3A_306 = arith.select %eq3A_304, %add3A_305, %select_n3A_300 : vector<1024x128xi1>, vector<1024x128xf32>
      %slice3A_307 = vector.extract_strided_slice %get3A_28 {offsets = [0, 4], sizes = [1024, 1], strides = [1, 1]} : vector<1024x16xf32> to vector<1024x1xf32>
      %mul3A_308 = vector.broadcast %slice3A_307 : vector<1024x1xf32> to vector<1024x128xf32>
      %mul3A_309 = arith.mulf %select_n3A_306, %mul3A_308 : vector<1024x128xf32>
      %convert_element_type3A_310 = arith.truncf %mul3A_309 : vector<1024x128xf32> to vector<1024x128xbf16>
      %slice3A_311 = vector.extract_strided_slice %get3A_25 {offsets = [0, 5], sizes = [1024, 1], strides = [1, 1]} : vector<1024x16xi32> to vector<1024x1xi32>
      %broadcast_in_dim3A_312 = vector.shape_cast %slice3A_311 : vector<1024x1xi32> to vector<1024x1xi32>
      %broadcast_in_dim3A_313 = vector.broadcast %broadcast_in_dim3A_312 : vector<1024x1xi32> to vector<1024x128xi32>
      %broadcast_in_dim3A_314 = arith.constant 0.000000e+00 : f32
      %broadcast_in_dim3A_315 = vector.broadcast %broadcast_in_dim3A_314 : f32 to vector<1024x128xf32>
      %slice3A_316 = vector.extract_strided_slice %get3A_22 {offsets = [0, 0], sizes = [1024, 128], strides = [1, 1]} : vector<1024x1024xf32> to vector<1024x128xf32>
      %eq3A_317 = arith.constant 0 : i32
      %eq3A_318 = vector.broadcast %eq3A_317 : i32 to vector<1024x128xi32>
      %eq3A_319 = arith.cmpi eq, %broadcast_in_dim3A_313, %eq3A_318 : vector<1024x128xi32>
      %add3A_320 = arith.addf %broadcast_in_dim3A_315, %slice3A_316 : vector<1024x128xf32>
      %select_n3A_321 = arith.select %eq3A_319, %add3A_320, %broadcast_in_dim3A_315 : vector<1024x128xi1>, vector<1024x128xf32>
      %slice3A_322 = vector.extract_strided_slice %get3A_22 {offsets = [0, 128], sizes = [1024, 128], strides = [1, 1]} : vector<1024x1024xf32> to vector<1024x128xf32>
      %eq3A_323 = arith.constant 1 : i32
      %eq3A_324 = vector.broadcast %eq3A_323 : i32 to vector<1024x128xi32>
      %eq3A_325 = arith.cmpi eq, %broadcast_in_dim3A_313, %eq3A_324 : vector<1024x128xi32>
      %add3A_326 = arith.addf %select_n3A_321, %slice3A_322 : vector<1024x128xf32>
      %select_n3A_327 = arith.select %eq3A_325, %add3A_326, %select_n3A_321 : vector<1024x128xi1>, vector<1024x128xf32>
      %slice3A_328 = vector.extract_strided_slice %get3A_22 {offsets = [0, 256], sizes = [1024, 128], strides = [1, 1]} : vector<1024x1024xf32> to vector<1024x128xf32>
      %eq3A_329 = arith.constant 2 : i32
      %eq3A_330 = vector.broadcast %eq3A_329 : i32 to vector<1024x128xi32>
      %eq3A_331 = arith.cmpi eq, %broadcast_in_dim3A_313, %eq3A_330 : vector<1024x128xi32>
      %add3A_332 = arith.addf %select_n3A_327, %slice3A_328 : vector<1024x128xf32>
      %select_n3A_333 = arith.select %eq3A_331, %add3A_332, %select_n3A_327 : vector<1024x128xi1>, vector<1024x128xf32>
      %slice3A_334 = vector.extract_strided_slice %get3A_22 {offsets = [0, 384], sizes = [1024, 128], strides = [1, 1]} : vector<1024x1024xf32> to vector<1024x128xf32>
      %eq3A_335 = arith.constant 3 : i32
      %eq3A_336 = vector.broadcast %eq3A_335 : i32 to vector<1024x128xi32>
      %eq3A_337 = arith.cmpi eq, %broadcast_in_dim3A_313, %eq3A_336 : vector<1024x128xi32>
      %add3A_338 = arith.addf %select_n3A_333, %slice3A_334 : vector<1024x128xf32>
      %select_n3A_339 = arith.select %eq3A_337, %add3A_338, %select_n3A_333 : vector<1024x128xi1>, vector<1024x128xf32>
      %slice3A_340 = vector.extract_strided_slice %get3A_22 {offsets = [0, 512], sizes = [1024, 128], strides = [1, 1]} : vector<1024x1024xf32> to vector<1024x128xf32>
      %eq3A_341 = arith.constant 4 : i32
      %eq3A_342 = vector.broadcast %eq3A_341 : i32 to vector<1024x128xi32>
      %eq3A_343 = arith.cmpi eq, %broadcast_in_dim3A_313, %eq3A_342 : vector<1024x128xi32>
      %add3A_344 = arith.addf %select_n3A_339, %slice3A_340 : vector<1024x128xf32>
      %select_n3A_345 = arith.select %eq3A_343, %add3A_344, %select_n3A_339 : vector<1024x128xi1>, vector<1024x128xf32>
      %slice3A_346 = vector.extract_strided_slice %get3A_22 {offsets = [0, 640], sizes = [1024, 128], strides = [1, 1]} : vector<1024x1024xf32> to vector<1024x128xf32>
      %eq3A_347 = arith.constant 5 : i32
      %eq3A_348 = vector.broadcast %eq3A_347 : i32 to vector<1024x128xi32>
      %eq3A_349 = arith.cmpi eq, %broadcast_in_dim3A_313, %eq3A_348 : vector<1024x128xi32>
      %add3A_350 = arith.addf %select_n3A_345, %slice3A_346 : vector<1024x128xf32>
      %select_n3A_351 = arith.select %eq3A_349, %add3A_350, %select_n3A_345 : vector<1024x128xi1>, vector<1024x128xf32>
      %slice3A_352 = vector.extract_strided_slice %get3A_22 {offsets = [0, 768], sizes = [1024, 128], strides = [1, 1]} : vector<1024x1024xf32> to vector<1024x128xf32>
      %eq3A_353 = arith.constant 6 : i32
      %eq3A_354 = vector.broadcast %eq3A_353 : i32 to vector<1024x128xi32>
      %eq3A_355 = arith.cmpi eq, %broadcast_in_dim3A_313, %eq3A_354 : vector<1024x128xi32>
      %add3A_356 = arith.addf %select_n3A_351, %slice3A_352 : vector<1024x128xf32>
      %select_n3A_357 = arith.select %eq3A_355, %add3A_356, %select_n3A_351 : vector<1024x128xi1>, vector<1024x128xf32>
      %slice3A_358 = vector.extract_strided_slice %get3A_22 {offsets = [0, 896], sizes = [1024, 128], strides = [1, 1]} : vector<1024x1024xf32> to vector<1024x128xf32>
      %eq3A_359 = arith.constant 7 : i32
      %eq3A_360 = vector.broadcast %eq3A_359 : i32 to vector<1024x128xi32>
      %eq3A_361 = arith.cmpi eq, %broadcast_in_dim3A_313, %eq3A_360 : vector<1024x128xi32>
      %add3A_362 = arith.addf %select_n3A_357, %slice3A_358 : vector<1024x128xf32>
      %select_n3A_363 = arith.select %eq3A_361, %add3A_362, %select_n3A_357 : vector<1024x128xi1>, vector<1024x128xf32>
      %slice3A_364 = vector.extract_strided_slice %get3A_28 {offsets = [0, 5], sizes = [1024, 1], strides = [1, 1]} : vector<1024x16xf32> to vector<1024x1xf32>
      %mul3A_365 = vector.broadcast %slice3A_364 : vector<1024x1xf32> to vector<1024x128xf32>
      %mul3A_366 = arith.mulf %select_n3A_363, %mul3A_365 : vector<1024x128xf32>
      %convert_element_type3A_367 = arith.truncf %mul3A_366 : vector<1024x128xf32> to vector<1024x128xbf16>
      %slice3A_368 = vector.extract_strided_slice %get3A_25 {offsets = [0, 6], sizes = [1024, 1], strides = [1, 1]} : vector<1024x16xi32> to vector<1024x1xi32>
      %broadcast_in_dim3A_369 = vector.shape_cast %slice3A_368 : vector<1024x1xi32> to vector<1024x1xi32>
      %broadcast_in_dim3A_370 = vector.broadcast %broadcast_in_dim3A_369 : vector<1024x1xi32> to vector<1024x128xi32>
      %broadcast_in_dim3A_371 = arith.constant 0.000000e+00 : f32
      %broadcast_in_dim3A_372 = vector.broadcast %broadcast_in_dim3A_371 : f32 to vector<1024x128xf32>
      %slice3A_373 = vector.extract_strided_slice %get3A_22 {offsets = [0, 0], sizes = [1024, 128], strides = [1, 1]} : vector<1024x1024xf32> to vector<1024x128xf32>
      %eq3A_374 = arith.constant 0 : i32
      %eq3A_375 = vector.broadcast %eq3A_374 : i32 to vector<1024x128xi32>
      %eq3A_376 = arith.cmpi eq, %broadcast_in_dim3A_370, %eq3A_375 : vector<1024x128xi32>
      %add3A_377 = arith.addf %broadcast_in_dim3A_372, %slice3A_373 : vector<1024x128xf32>
      %select_n3A_378 = arith.select %eq3A_376, %add3A_377, %broadcast_in_dim3A_372 : vector<1024x128xi1>, vector<1024x128xf32>
      %slice3A_379 = vector.extract_strided_slice %get3A_22 {offsets = [0, 128], sizes = [1024, 128], strides = [1, 1]} : vector<1024x1024xf32> to vector<1024x128xf32>
      %eq3A_380 = arith.constant 1 : i32
      %eq3A_381 = vector.broadcast %eq3A_380 : i32 to vector<1024x128xi32>
      %eq3A_382 = arith.cmpi eq, %broadcast_in_dim3A_370, %eq3A_381 : vector<1024x128xi32>
      %add3A_383 = arith.addf %select_n3A_378, %slice3A_379 : vector<1024x128xf32>
      %select_n3A_384 = arith.select %eq3A_382, %add3A_383, %select_n3A_378 : vector<1024x128xi1>, vector<1024x128xf32>
      %slice3A_385 = vector.extract_strided_slice %get3A_22 {offsets = [0, 256], sizes = [1024, 128], strides = [1, 1]} : vector<1024x1024xf32> to vector<1024x128xf32>
      %eq3A_386 = arith.constant 2 : i32
      %eq3A_387 = vector.broadcast %eq3A_386 : i32 to vector<1024x128xi32>
      %eq3A_388 = arith.cmpi eq, %broadcast_in_dim3A_370, %eq3A_387 : vector<1024x128xi32>
      %add3A_389 = arith.addf %select_n3A_384, %slice3A_385 : vector<1024x128xf32>
      %select_n3A_390 = arith.select %eq3A_388, %add3A_389, %select_n3A_384 : vector<1024x128xi1>, vector<1024x128xf32>
      %slice3A_391 = vector.extract_strided_slice %get3A_22 {offsets = [0, 384], sizes = [1024, 128], strides = [1, 1]} : vector<1024x1024xf32> to vector<1024x128xf32>
      %eq3A_392 = arith.constant 3 : i32
      %eq3A_393 = vector.broadcast %eq3A_392 : i32 to vector<1024x128xi32>
      %eq3A_394 = arith.cmpi eq, %broadcast_in_dim3A_370, %eq3A_393 : vector<1024x128xi32>
      %add3A_395 = arith.addf %select_n3A_390, %slice3A_391 : vector<1024x128xf32>
      %select_n3A_396 = arith.select %eq3A_394, %add3A_395, %select_n3A_390 : vector<1024x128xi1>, vector<1024x128xf32>
      %slice3A_397 = vector.extract_strided_slice %get3A_22 {offsets = [0, 512], sizes = [1024, 128], strides = [1, 1]} : vector<1024x1024xf32> to vector<1024x128xf32>
      %eq3A_398 = arith.constant 4 : i32
      %eq3A_399 = vector.broadcast %eq3A_398 : i32 to vector<1024x128xi32>
      %eq3A_400 = arith.cmpi eq, %broadcast_in_dim3A_370, %eq3A_399 : vector<1024x128xi32>
      %add3A_401 = arith.addf %select_n3A_396, %slice3A_397 : vector<1024x128xf32>
      %select_n3A_402 = arith.select %eq3A_400, %add3A_401, %select_n3A_396 : vector<1024x128xi1>, vector<1024x128xf32>
      %slice3A_403 = vector.extract_strided_slice %get3A_22 {offsets = [0, 640], sizes = [1024, 128], strides = [1, 1]} : vector<1024x1024xf32> to vector<1024x128xf32>
      %eq3A_404 = arith.constant 5 : i32
      %eq3A_405 = vector.broadcast %eq3A_404 : i32 to vector<1024x128xi32>
      %eq3A_406 = arith.cmpi eq, %broadcast_in_dim3A_370, %eq3A_405 : vector<1024x128xi32>
      %add3A_407 = arith.addf %select_n3A_402, %slice3A_403 : vector<1024x128xf32>
      %select_n3A_408 = arith.select %eq3A_406, %add3A_407, %select_n3A_402 : vector<1024x128xi1>, vector<1024x128xf32>
      %slice3A_409 = vector.extract_strided_slice %get3A_22 {offsets = [0, 768], sizes = [1024, 128], strides = [1, 1]} : vector<1024x1024xf32> to vector<1024x128xf32>
      %eq3A_410 = arith.constant 6 : i32
      %eq3A_411 = vector.broadcast %eq3A_410 : i32 to vector<1024x128xi32>
      %eq3A_412 = arith.cmpi eq, %broadcast_in_dim3A_370, %eq3A_411 : vector<1024x128xi32>
      %add3A_413 = arith.addf %select_n3A_408, %slice3A_409 : vector<1024x128xf32>
      %select_n3A_414 = arith.select %eq3A_412, %add3A_413, %select_n3A_408 : vector<1024x128xi1>, vector<1024x128xf32>
      %slice3A_415 = vector.extract_strided_slice %get3A_22 {offsets = [0, 896], sizes = [1024, 128], strides = [1, 1]} : vector<1024x1024xf32> to vector<1024x128xf32>
      %eq3A_416 = arith.constant 7 : i32
      %eq3A_417 = vector.broadcast %eq3A_416 : i32 to vector<1024x128xi32>
      %eq3A_418 = arith.cmpi eq, %broadcast_in_dim3A_370, %eq3A_417 : vector<1024x128xi32>
      %add3A_419 = arith.addf %select_n3A_414, %slice3A_415 : vector<1024x128xf32>
      %select_n3A_420 = arith.select %eq3A_418, %add3A_419, %select_n3A_414 : vector<1024x128xi1>, vector<1024x128xf32>
      %slice3A_421 = vector.extract_strided_slice %get3A_28 {offsets = [0, 6], sizes = [1024, 1], strides = [1, 1]} : vector<1024x16xf32> to vector<1024x1xf32>
      %mul3A_422 = vector.broadcast %slice3A_421 : vector<1024x1xf32> to vector<1024x128xf32>
      %mul3A_423 = arith.mulf %select_n3A_420, %mul3A_422 : vector<1024x128xf32>
      %convert_element_type3A_424 = arith.truncf %mul3A_423 : vector<1024x128xf32> to vector<1024x128xbf16>
      %slice3A_425 = vector.extract_strided_slice %get3A_25 {offsets = [0, 7], sizes = [1024, 1], strides = [1, 1]} : vector<1024x16xi32> to vector<1024x1xi32>
      %broadcast_in_dim3A_426 = vector.shape_cast %slice3A_425 : vector<1024x1xi32> to vector<1024x1xi32>
      %broadcast_in_dim3A_427 = vector.broadcast %broadcast_in_dim3A_426 : vector<1024x1xi32> to vector<1024x128xi32>
      %broadcast_in_dim3A_428 = arith.constant 0.000000e+00 : f32
      %broadcast_in_dim3A_429 = vector.broadcast %broadcast_in_dim3A_428 : f32 to vector<1024x128xf32>
      %slice3A_430 = vector.extract_strided_slice %get3A_22 {offsets = [0, 0], sizes = [1024, 128], strides = [1, 1]} : vector<1024x1024xf32> to vector<1024x128xf32>
      %eq3A_431 = arith.constant 0 : i32
      %eq3A_432 = vector.broadcast %eq3A_431 : i32 to vector<1024x128xi32>
      %eq3A_433 = arith.cmpi eq, %broadcast_in_dim3A_427, %eq3A_432 : vector<1024x128xi32>
      %add3A_434 = arith.addf %broadcast_in_dim3A_429, %slice3A_430 : vector<1024x128xf32>
      %select_n3A_435 = arith.select %eq3A_433, %add3A_434, %broadcast_in_dim3A_429 : vector<1024x128xi1>, vector<1024x128xf32>
      %slice3A_436 = vector.extract_strided_slice %get3A_22 {offsets = [0, 128], sizes = [1024, 128], strides = [1, 1]} : vector<1024x1024xf32> to vector<1024x128xf32>
      %eq3A_437 = arith.constant 1 : i32
      %eq3A_438 = vector.broadcast %eq3A_437 : i32 to vector<1024x128xi32>
      %eq3A_439 = arith.cmpi eq, %broadcast_in_dim3A_427, %eq3A_438 : vector<1024x128xi32>
      %add3A_440 = arith.addf %select_n3A_435, %slice3A_436 : vector<1024x128xf32>
      %select_n3A_441 = arith.select %eq3A_439, %add3A_440, %select_n3A_435 : vector<1024x128xi1>, vector<1024x128xf32>
      %slice3A_442 = vector.extract_strided_slice %get3A_22 {offsets = [0, 256], sizes = [1024, 128], strides = [1, 1]} : vector<1024x1024xf32> to vector<1024x128xf32>
      %eq3A_443 = arith.constant 2 : i32
      %eq3A_444 = vector.broadcast %eq3A_443 : i32 to vector<1024x128xi32>
      %eq3A_445 = arith.cmpi eq, %broadcast_in_dim3A_427, %eq3A_444 : vector<1024x128xi32>
      %add3A_446 = arith.addf %select_n3A_441, %slice3A_442 : vector<1024x128xf32>
      %select_n3A_447 = arith.select %eq3A_445, %add3A_446, %select_n3A_441 : vector<1024x128xi1>, vector<1024x128xf32>
      %slice3A_448 = vector.extract_strided_slice %get3A_22 {offsets = [0, 384], sizes = [1024, 128], strides = [1, 1]} : vector<1024x1024xf32> to vector<1024x128xf32>
      %eq3A_449 = arith.constant 3 : i32
      %eq3A_450 = vector.broadcast %eq3A_449 : i32 to vector<1024x128xi32>
      %eq3A_451 = arith.cmpi eq, %broadcast_in_dim3A_427, %eq3A_450 : vector<1024x128xi32>
      %add3A_452 = arith.addf %select_n3A_447, %slice3A_448 : vector<1024x128xf32>
      %select_n3A_453 = arith.select %eq3A_451, %add3A_452, %select_n3A_447 : vector<1024x128xi1>, vector<1024x128xf32>
      %slice3A_454 = vector.extract_strided_slice %get3A_22 {offsets = [0, 512], sizes = [1024, 128], strides = [1, 1]} : vector<1024x1024xf32> to vector<1024x128xf32>
      %eq3A_455 = arith.constant 4 : i32
      %eq3A_456 = vector.broadcast %eq3A_455 : i32 to vector<1024x128xi32>
      %eq3A_457 = arith.cmpi eq, %broadcast_in_dim3A_427, %eq3A_456 : vector<1024x128xi32>
      %add3A_458 = arith.addf %select_n3A_453, %slice3A_454 : vector<1024x128xf32>
      %select_n3A_459 = arith.select %eq3A_457, %add3A_458, %select_n3A_453 : vector<1024x128xi1>, vector<1024x128xf32>
      %slice3A_460 = vector.extract_strided_slice %get3A_22 {offsets = [0, 640], sizes = [1024, 128], strides = [1, 1]} : vector<1024x1024xf32> to vector<1024x128xf32>
      %eq3A_461 = arith.constant 5 : i32
      %eq3A_462 = vector.broadcast %eq3A_461 : i32 to vector<1024x128xi32>
      %eq3A_463 = arith.cmpi eq, %broadcast_in_dim3A_427, %eq3A_462 : vector<1024x128xi32>
      %add3A_464 = arith.addf %select_n3A_459, %slice3A_460 : vector<1024x128xf32>
      %select_n3A_465 = arith.select %eq3A_463, %add3A_464, %select_n3A_459 : vector<1024x128xi1>, vector<1024x128xf32>
      %slice3A_466 = vector.extract_strided_slice %get3A_22 {offsets = [0, 768], sizes = [1024, 128], strides = [1, 1]} : vector<1024x1024xf32> to vector<1024x128xf32>
      %eq3A_467 = arith.constant 6 : i32
      %eq3A_468 = vector.broadcast %eq3A_467 : i32 to vector<1024x128xi32>
      %eq3A_469 = arith.cmpi eq, %broadcast_in_dim3A_427, %eq3A_468 : vector<1024x128xi32>
      %add3A_470 = arith.addf %select_n3A_465, %slice3A_466 : vector<1024x128xf32>
      %select_n3A_471 = arith.select %eq3A_469, %add3A_470, %select_n3A_465 : vector<1024x128xi1>, vector<1024x128xf32>
      %slice3A_472 = vector.extract_strided_slice %get3A_22 {offsets = [0, 896], sizes = [1024, 128], strides = [1, 1]} : vector<1024x1024xf32> to vector<1024x128xf32>
      %eq3A_473 = arith.constant 7 : i32
      %eq3A_474 = vector.broadcast %eq3A_473 : i32 to vector<1024x128xi32>
      %eq3A_475 = arith.cmpi eq, %broadcast_in_dim3A_427, %eq3A_474 : vector<1024x128xi32>
      %add3A_476 = arith.addf %select_n3A_471, %slice3A_472 : vector<1024x128xf32>
      %select_n3A_477 = arith.select %eq3A_475, %add3A_476, %select_n3A_471 : vector<1024x128xi1>, vector<1024x128xf32>
      %slice3A_478 = vector.extract_strided_slice %get3A_28 {offsets = [0, 7], sizes = [1024, 1], strides = [1, 1]} : vector<1024x16xf32> to vector<1024x1xf32>
      %mul3A_479 = vector.broadcast %slice3A_478 : vector<1024x1xf32> to vector<1024x128xf32>
      %mul3A_480 = arith.mulf %select_n3A_477, %mul3A_479 : vector<1024x128xf32>
      %convert_element_type3A_481 = arith.truncf %mul3A_480 : vector<1024x128xf32> to vector<1024x128xbf16>
      %slice3A_482 = vector.extract_strided_slice %get3A_25 {offsets = [0, 8], sizes = [1024, 1], strides = [1, 1]} : vector<1024x16xi32> to vector<1024x1xi32>
      %broadcast_in_dim3A_483 = vector.shape_cast %slice3A_482 : vector<1024x1xi32> to vector<1024x1xi32>
      %broadcast_in_dim3A_484 = vector.broadcast %broadcast_in_dim3A_483 : vector<1024x1xi32> to vector<1024x128xi32>
      %broadcast_in_dim3A_485 = arith.constant 0.000000e+00 : f32
      %broadcast_in_dim3A_486 = vector.broadcast %broadcast_in_dim3A_485 : f32 to vector<1024x128xf32>
      %slice3A_487 = vector.extract_strided_slice %get3A_22 {offsets = [0, 0], sizes = [1024, 128], strides = [1, 1]} : vector<1024x1024xf32> to vector<1024x128xf32>
      %eq3A_488 = arith.constant 0 : i32
      %eq3A_489 = vector.broadcast %eq3A_488 : i32 to vector<1024x128xi32>
      %eq3A_490 = arith.cmpi eq, %broadcast_in_dim3A_484, %eq3A_489 : vector<1024x128xi32>
      %add3A_491 = arith.addf %broadcast_in_dim3A_486, %slice3A_487 : vector<1024x128xf32>
      %select_n3A_492 = arith.select %eq3A_490, %add3A_491, %broadcast_in_dim3A_486 : vector<1024x128xi1>, vector<1024x128xf32>
      %slice3A_493 = vector.extract_strided_slice %get3A_22 {offsets = [0, 128], sizes = [1024, 128], strides = [1, 1]} : vector<1024x1024xf32> to vector<1024x128xf32>
      %eq3A_494 = arith.constant 1 : i32
      %eq3A_495 = vector.broadcast %eq3A_494 : i32 to vector<1024x128xi32>
      %eq3A_496 = arith.cmpi eq, %broadcast_in_dim3A_484, %eq3A_495 : vector<1024x128xi32>
      %add3A_497 = arith.addf %select_n3A_492, %slice3A_493 : vector<1024x128xf32>
      %select_n3A_498 = arith.select %eq3A_496, %add3A_497, %select_n3A_492 : vector<1024x128xi1>, vector<1024x128xf32>
      %slice3A_499 = vector.extract_strided_slice %get3A_22 {offsets = [0, 256], sizes = [1024, 128], strides = [1, 1]} : vector<1024x1024xf32> to vector<1024x128xf32>
      %eq3A_500 = arith.constant 2 : i32
      %eq3A_501 = vector.broadcast %eq3A_500 : i32 to vector<1024x128xi32>
      %eq3A_502 = arith.cmpi eq, %broadcast_in_dim3A_484, %eq3A_501 : vector<1024x128xi32>
      %add3A_503 = arith.addf %select_n3A_498, %slice3A_499 : vector<1024x128xf32>
      %select_n3A_504 = arith.select %eq3A_502, %add3A_503, %select_n3A_498 : vector<1024x128xi1>, vector<1024x128xf32>
      %slice3A_505 = vector.extract_strided_slice %get3A_22 {offsets = [0, 384], sizes = [1024, 128], strides = [1, 1]} : vector<1024x1024xf32> to vector<1024x128xf32>
      %eq3A_506 = arith.constant 3 : i32
      %eq3A_507 = vector.broadcast %eq3A_506 : i32 to vector<1024x128xi32>
      %eq3A_508 = arith.cmpi eq, %broadcast_in_dim3A_484, %eq3A_507 : vector<1024x128xi32>
      %add3A_509 = arith.addf %select_n3A_504, %slice3A_505 : vector<1024x128xf32>
      %select_n3A_510 = arith.select %eq3A_508, %add3A_509, %select_n3A_504 : vector<1024x128xi1>, vector<1024x128xf32>
      %slice3A_511 = vector.extract_strided_slice %get3A_22 {offsets = [0, 512], sizes = [1024, 128], strides = [1, 1]} : vector<1024x1024xf32> to vector<1024x128xf32>
      %eq3A_512 = arith.constant 4 : i32
      %eq3A_513 = vector.broadcast %eq3A_512 : i32 to vector<1024x128xi32>
      %eq3A_514 = arith.cmpi eq, %broadcast_in_dim3A_484, %eq3A_513 : vector<1024x128xi32>
      %add3A_515 = arith.addf %select_n3A_510, %slice3A_511 : vector<1024x128xf32>
      %select_n3A_516 = arith.select %eq3A_514, %add3A_515, %select_n3A_510 : vector<1024x128xi1>, vector<1024x128xf32>
      %slice3A_517 = vector.extract_strided_slice %get3A_22 {offsets = [0, 640], sizes = [1024, 128], strides = [1, 1]} : vector<1024x1024xf32> to vector<1024x128xf32>
      %eq3A_518 = arith.constant 5 : i32
      %eq3A_519 = vector.broadcast %eq3A_518 : i32 to vector<1024x128xi32>
      %eq3A_520 = arith.cmpi eq, %broadcast_in_dim3A_484, %eq3A_519 : vector<1024x128xi32>
      %add3A_521 = arith.addf %select_n3A_516, %slice3A_517 : vector<1024x128xf32>
      %select_n3A_522 = arith.select %eq3A_520, %add3A_521, %select_n3A_516 : vector<1024x128xi1>, vector<1024x128xf32>
      %slice3A_523 = vector.extract_strided_slice %get3A_22 {offsets = [0, 768], sizes = [1024, 128], strides = [1, 1]} : vector<1024x1024xf32> to vector<1024x128xf32>
      %eq3A_524 = arith.constant 6 : i32
      %eq3A_525 = vector.broadcast %eq3A_524 : i32 to vector<1024x128xi32>
      %eq3A_526 = arith.cmpi eq, %broadcast_in_dim3A_484, %eq3A_525 : vector<1024x128xi32>
      %add3A_527 = arith.addf %select_n3A_522, %slice3A_523 : vector<1024x128xf32>
      %select_n3A_528 = arith.select %eq3A_526, %add3A_527, %select_n3A_522 : vector<1024x128xi1>, vector<1024x128xf32>
      %slice3A_529 = vector.extract_strided_slice %get3A_22 {offsets = [0, 896], sizes = [1024, 128], strides = [1, 1]} : vector<1024x1024xf32> to vector<1024x128xf32>
      %eq3A_530 = arith.constant 7 : i32
      %eq3A_531 = vector.broadcast %eq3A_530 : i32 to vector<1024x128xi32>
      %eq3A_532 = arith.cmpi eq, %broadcast_in_dim3A_484, %eq3A_531 : vector<1024x128xi32>
      %add3A_533 = arith.addf %select_n3A_528, %slice3A_529 : vector<1024x128xf32>
      %select_n3A_534 = arith.select %eq3A_532, %add3A_533, %select_n3A_528 : vector<1024x128xi1>, vector<1024x128xf32>
      %slice3A_535 = vector.extract_strided_slice %get3A_28 {offsets = [0, 8], sizes = [1024, 1], strides = [1, 1]} : vector<1024x16xf32> to vector<1024x1xf32>
      %mul3A_536 = vector.broadcast %slice3A_535 : vector<1024x1xf32> to vector<1024x128xf32>
      %mul3A_537 = arith.mulf %select_n3A_534, %mul3A_536 : vector<1024x128xf32>
      %convert_element_type3A_538 = arith.truncf %mul3A_537 : vector<1024x128xf32> to vector<1024x128xbf16>
      %slice3A_539 = vector.extract_strided_slice %get3A_25 {offsets = [0, 9], sizes = [1024, 1], strides = [1, 1]} : vector<1024x16xi32> to vector<1024x1xi32>
      %broadcast_in_dim3A_540 = vector.shape_cast %slice3A_539 : vector<1024x1xi32> to vector<1024x1xi32>
      %broadcast_in_dim3A_541 = vector.broadcast %broadcast_in_dim3A_540 : vector<1024x1xi32> to vector<1024x128xi32>
      %broadcast_in_dim3A_542 = arith.constant 0.000000e+00 : f32
      %broadcast_in_dim3A_543 = vector.broadcast %broadcast_in_dim3A_542 : f32 to vector<1024x128xf32>
      %slice3A_544 = vector.extract_strided_slice %get3A_22 {offsets = [0, 0], sizes = [1024, 128], strides = [1, 1]} : vector<1024x1024xf32> to vector<1024x128xf32>
      %eq3A_545 = arith.constant 0 : i32
      %eq3A_546 = vector.broadcast %eq3A_545 : i32 to vector<1024x128xi32>
      %eq3A_547 = arith.cmpi eq, %broadcast_in_dim3A_541, %eq3A_546 : vector<1024x128xi32>
      %add3A_548 = arith.addf %broadcast_in_dim3A_543, %slice3A_544 : vector<1024x128xf32>
      %select_n3A_549 = arith.select %eq3A_547, %add3A_548, %broadcast_in_dim3A_543 : vector<1024x128xi1>, vector<1024x128xf32>
      %slice3A_550 = vector.extract_strided_slice %get3A_22 {offsets = [0, 128], sizes = [1024, 128], strides = [1, 1]} : vector<1024x1024xf32> to vector<1024x128xf32>
      %eq3A_551 = arith.constant 1 : i32
      %eq3A_552 = vector.broadcast %eq3A_551 : i32 to vector<1024x128xi32>
      %eq3A_553 = arith.cmpi eq, %broadcast_in_dim3A_541, %eq3A_552 : vector<1024x128xi32>
      %add3A_554 = arith.addf %select_n3A_549, %slice3A_550 : vector<1024x128xf32>
      %select_n3A_555 = arith.select %eq3A_553, %add3A_554, %select_n3A_549 : vector<1024x128xi1>, vector<1024x128xf32>
      %slice3A_556 = vector.extract_strided_slice %get3A_22 {offsets = [0, 256], sizes = [1024, 128], strides = [1, 1]} : vector<1024x1024xf32> to vector<1024x128xf32>
      %eq3A_557 = arith.constant 2 : i32
      %eq3A_558 = vector.broadcast %eq3A_557 : i32 to vector<1024x128xi32>
      %eq3A_559 = arith.cmpi eq, %broadcast_in_dim3A_541, %eq3A_558 : vector<1024x128xi32>
      %add3A_560 = arith.addf %select_n3A_555, %slice3A_556 : vector<1024x128xf32>
      %select_n3A_561 = arith.select %eq3A_559, %add3A_560, %select_n3A_555 : vector<1024x128xi1>, vector<1024x128xf32>
      %slice3A_562 = vector.extract_strided_slice %get3A_22 {offsets = [0, 384], sizes = [1024, 128], strides = [1, 1]} : vector<1024x1024xf32> to vector<1024x128xf32>
      %eq3A_563 = arith.constant 3 : i32
      %eq3A_564 = vector.broadcast %eq3A_563 : i32 to vector<1024x128xi32>
      %eq3A_565 = arith.cmpi eq, %broadcast_in_dim3A_541, %eq3A_564 : vector<1024x128xi32>
      %add3A_566 = arith.addf %select_n3A_561, %slice3A_562 : vector<1024x128xf32>
      %select_n3A_567 = arith.select %eq3A_565, %add3A_566, %select_n3A_561 : vector<1024x128xi1>, vector<1024x128xf32>
      %slice3A_568 = vector.extract_strided_slice %get3A_22 {offsets = [0, 512], sizes = [1024, 128], strides = [1, 1]} : vector<1024x1024xf32> to vector<1024x128xf32>
      %eq3A_569 = arith.constant 4 : i32
      %eq3A_570 = vector.broadcast %eq3A_569 : i32 to vector<1024x128xi32>
      %eq3A_571 = arith.cmpi eq, %broadcast_in_dim3A_541, %eq3A_570 : vector<1024x128xi32>
      %add3A_572 = arith.addf %select_n3A_567, %slice3A_568 : vector<1024x128xf32>
      %select_n3A_573 = arith.select %eq3A_571, %add3A_572, %select_n3A_567 : vector<1024x128xi1>, vector<1024x128xf32>
      %slice3A_574 = vector.extract_strided_slice %get3A_22 {offsets = [0, 640], sizes = [1024, 128], strides = [1, 1]} : vector<1024x1024xf32> to vector<1024x128xf32>
      %eq3A_575 = arith.constant 5 : i32
      %eq3A_576 = vector.broadcast %eq3A_575 : i32 to vector<1024x128xi32>
      %eq3A_577 = arith.cmpi eq, %broadcast_in_dim3A_541, %eq3A_576 : vector<1024x128xi32>
      %add3A_578 = arith.addf %select_n3A_573, %slice3A_574 : vector<1024x128xf32>
      %select_n3A_579 = arith.select %eq3A_577, %add3A_578, %select_n3A_573 : vector<1024x128xi1>, vector<1024x128xf32>
      %slice3A_580 = vector.extract_strided_slice %get3A_22 {offsets = [0, 768], sizes = [1024, 128], strides = [1, 1]} : vector<1024x1024xf32> to vector<1024x128xf32>
      %eq3A_581 = arith.constant 6 : i32
      %eq3A_582 = vector.broadcast %eq3A_581 : i32 to vector<1024x128xi32>
      %eq3A_583 = arith.cmpi eq, %broadcast_in_dim3A_541, %eq3A_582 : vector<1024x128xi32>
      %add3A_584 = arith.addf %select_n3A_579, %slice3A_580 : vector<1024x128xf32>
      %select_n3A_585 = arith.select %eq3A_583, %add3A_584, %select_n3A_579 : vector<1024x128xi1>, vector<1024x128xf32>
      %slice3A_586 = vector.extract_strided_slice %get3A_22 {offsets = [0, 896], sizes = [1024, 128], strides = [1, 1]} : vector<1024x1024xf32> to vector<1024x128xf32>
      %eq3A_587 = arith.constant 7 : i32
      %eq3A_588 = vector.broadcast %eq3A_587 : i32 to vector<1024x128xi32>
      %eq3A_589 = arith.cmpi eq, %broadcast_in_dim3A_541, %eq3A_588 : vector<1024x128xi32>
      %add3A_590 = arith.addf %select_n3A_585, %slice3A_586 : vector<1024x128xf32>
      %select_n3A_591 = arith.select %eq3A_589, %add3A_590, %select_n3A_585 : vector<1024x128xi1>, vector<1024x128xf32>
      %slice3A_592 = vector.extract_strided_slice %get3A_28 {offsets = [0, 9], sizes = [1024, 1], strides = [1, 1]} : vector<1024x16xf32> to vector<1024x1xf32>
      %mul3A_593 = vector.broadcast %slice3A_592 : vector<1024x1xf32> to vector<1024x128xf32>
      %mul3A_594 = arith.mulf %select_n3A_591, %mul3A_593 : vector<1024x128xf32>
      %convert_element_type3A_595 = arith.truncf %mul3A_594 : vector<1024x128xf32> to vector<1024x128xbf16>
      %slice3A_596 = vector.extract_strided_slice %get3A_25 {offsets = [0, 10], sizes = [1024, 1], strides = [1, 1]} : vector<1024x16xi32> to vector<1024x1xi32>
      %broadcast_in_dim3A_597 = vector.shape_cast %slice3A_596 : vector<1024x1xi32> to vector<1024x1xi32>
      %broadcast_in_dim3A_598 = vector.broadcast %broadcast_in_dim3A_597 : vector<1024x1xi32> to vector<1024x128xi32>
      %broadcast_in_dim3A_599 = arith.constant 0.000000e+00 : f32
      %broadcast_in_dim3A_600 = vector.broadcast %broadcast_in_dim3A_599 : f32 to vector<1024x128xf32>
      %slice3A_601 = vector.extract_strided_slice %get3A_22 {offsets = [0, 0], sizes = [1024, 128], strides = [1, 1]} : vector<1024x1024xf32> to vector<1024x128xf32>
      %eq3A_602 = arith.constant 0 : i32
      %eq3A_603 = vector.broadcast %eq3A_602 : i32 to vector<1024x128xi32>
      %eq3A_604 = arith.cmpi eq, %broadcast_in_dim3A_598, %eq3A_603 : vector<1024x128xi32>
      %add3A_605 = arith.addf %broadcast_in_dim3A_600, %slice3A_601 : vector<1024x128xf32>
      %select_n3A_606 = arith.select %eq3A_604, %add3A_605, %broadcast_in_dim3A_600 : vector<1024x128xi1>, vector<1024x128xf32>
      %slice3A_607 = vector.extract_strided_slice %get3A_22 {offsets = [0, 128], sizes = [1024, 128], strides = [1, 1]} : vector<1024x1024xf32> to vector<1024x128xf32>
      %eq3A_608 = arith.constant 1 : i32
      %eq3A_609 = vector.broadcast %eq3A_608 : i32 to vector<1024x128xi32>
      %eq3A_610 = arith.cmpi eq, %broadcast_in_dim3A_598, %eq3A_609 : vector<1024x128xi32>
      %add3A_611 = arith.addf %select_n3A_606, %slice3A_607 : vector<1024x128xf32>
      %select_n3A_612 = arith.select %eq3A_610, %add3A_611, %select_n3A_606 : vector<1024x128xi1>, vector<1024x128xf32>
      %slice3A_613 = vector.extract_strided_slice %get3A_22 {offsets = [0, 256], sizes = [1024, 128], strides = [1, 1]} : vector<1024x1024xf32> to vector<1024x128xf32>
      %eq3A_614 = arith.constant 2 : i32
      %eq3A_615 = vector.broadcast %eq3A_614 : i32 to vector<1024x128xi32>
      %eq3A_616 = arith.cmpi eq, %broadcast_in_dim3A_598, %eq3A_615 : vector<1024x128xi32>
      %add3A_617 = arith.addf %select_n3A_612, %slice3A_613 : vector<1024x128xf32>
      %select_n3A_618 = arith.select %eq3A_616, %add3A_617, %select_n3A_612 : vector<1024x128xi1>, vector<1024x128xf32>
      %slice3A_619 = vector.extract_strided_slice %get3A_22 {offsets = [0, 384], sizes = [1024, 128], strides = [1, 1]} : vector<1024x1024xf32> to vector<1024x128xf32>
      %eq3A_620 = arith.constant 3 : i32
      %eq3A_621 = vector.broadcast %eq3A_620 : i32 to vector<1024x128xi32>
      %eq3A_622 = arith.cmpi eq, %broadcast_in_dim3A_598, %eq3A_621 : vector<1024x128xi32>
      %add3A_623 = arith.addf %select_n3A_618, %slice3A_619 : vector<1024x128xf32>
      %select_n3A_624 = arith.select %eq3A_622, %add3A_623, %select_n3A_618 : vector<1024x128xi1>, vector<1024x128xf32>
      %slice3A_625 = vector.extract_strided_slice %get3A_22 {offsets = [0, 512], sizes = [1024, 128], strides = [1, 1]} : vector<1024x1024xf32> to vector<1024x128xf32>
      %eq3A_626 = arith.constant 4 : i32
      %eq3A_627 = vector.broadcast %eq3A_626 : i32 to vector<1024x128xi32>
      %eq3A_628 = arith.cmpi eq, %broadcast_in_dim3A_598, %eq3A_627 : vector<1024x128xi32>
      %add3A_629 = arith.addf %select_n3A_624, %slice3A_625 : vector<1024x128xf32>
      %select_n3A_630 = arith.select %eq3A_628, %add3A_629, %select_n3A_624 : vector<1024x128xi1>, vector<1024x128xf32>
      %slice3A_631 = vector.extract_strided_slice %get3A_22 {offsets = [0, 640], sizes = [1024, 128], strides = [1, 1]} : vector<1024x1024xf32> to vector<1024x128xf32>
      %eq3A_632 = arith.constant 5 : i32
      %eq3A_633 = vector.broadcast %eq3A_632 : i32 to vector<1024x128xi32>
      %eq3A_634 = arith.cmpi eq, %broadcast_in_dim3A_598, %eq3A_633 : vector<1024x128xi32>
      %add3A_635 = arith.addf %select_n3A_630, %slice3A_631 : vector<1024x128xf32>
      %select_n3A_636 = arith.select %eq3A_634, %add3A_635, %select_n3A_630 : vector<1024x128xi1>, vector<1024x128xf32>
      %slice3A_637 = vector.extract_strided_slice %get3A_22 {offsets = [0, 768], sizes = [1024, 128], strides = [1, 1]} : vector<1024x1024xf32> to vector<1024x128xf32>
      %eq3A_638 = arith.constant 6 : i32
      %eq3A_639 = vector.broadcast %eq3A_638 : i32 to vector<1024x128xi32>
      %eq3A_640 = arith.cmpi eq, %broadcast_in_dim3A_598, %eq3A_639 : vector<1024x128xi32>
      %add3A_641 = arith.addf %select_n3A_636, %slice3A_637 : vector<1024x128xf32>
      %select_n3A_642 = arith.select %eq3A_640, %add3A_641, %select_n3A_636 : vector<1024x128xi1>, vector<1024x128xf32>
      %slice3A_643 = vector.extract_strided_slice %get3A_22 {offsets = [0, 896], sizes = [1024, 128], strides = [1, 1]} : vector<1024x1024xf32> to vector<1024x128xf32>
      %eq3A_644 = arith.constant 7 : i32
      %eq3A_645 = vector.broadcast %eq3A_644 : i32 to vector<1024x128xi32>
      %eq3A_646 = arith.cmpi eq, %broadcast_in_dim3A_598, %eq3A_645 : vector<1024x128xi32>
      %add3A_647 = arith.addf %select_n3A_642, %slice3A_643 : vector<1024x128xf32>
      %select_n3A_648 = arith.select %eq3A_646, %add3A_647, %select_n3A_642 : vector<1024x128xi1>, vector<1024x128xf32>
      %slice3A_649 = vector.extract_strided_slice %get3A_28 {offsets = [0, 10], sizes = [1024, 1], strides = [1, 1]} : vector<1024x16xf32> to vector<1024x1xf32>
      %mul3A_650 = vector.broadcast %slice3A_649 : vector<1024x1xf32> to vector<1024x128xf32>
      %mul3A_651 = arith.mulf %select_n3A_648, %mul3A_650 : vector<1024x128xf32>
      %convert_element_type3A_652 = arith.truncf %mul3A_651 : vector<1024x128xf32> to vector<1024x128xbf16>
      %slice3A_653 = vector.extract_strided_slice %get3A_25 {offsets = [0, 11], sizes = [1024, 1], strides = [1, 1]} : vector<1024x16xi32> to vector<1024x1xi32>
      %broadcast_in_dim3A_654 = vector.shape_cast %slice3A_653 : vector<1024x1xi32> to vector<1024x1xi32>
      %broadcast_in_dim3A_655 = vector.broadcast %broadcast_in_dim3A_654 : vector<1024x1xi32> to vector<1024x128xi32>
      %broadcast_in_dim3A_656 = arith.constant 0.000000e+00 : f32
      %broadcast_in_dim3A_657 = vector.broadcast %broadcast_in_dim3A_656 : f32 to vector<1024x128xf32>
      %slice3A_658 = vector.extract_strided_slice %get3A_22 {offsets = [0, 0], sizes = [1024, 128], strides = [1, 1]} : vector<1024x1024xf32> to vector<1024x128xf32>
      %eq3A_659 = arith.constant 0 : i32
      %eq3A_660 = vector.broadcast %eq3A_659 : i32 to vector<1024x128xi32>
      %eq3A_661 = arith.cmpi eq, %broadcast_in_dim3A_655, %eq3A_660 : vector<1024x128xi32>
      %add3A_662 = arith.addf %broadcast_in_dim3A_657, %slice3A_658 : vector<1024x128xf32>
      %select_n3A_663 = arith.select %eq3A_661, %add3A_662, %broadcast_in_dim3A_657 : vector<1024x128xi1>, vector<1024x128xf32>
      %slice3A_664 = vector.extract_strided_slice %get3A_22 {offsets = [0, 128], sizes = [1024, 128], strides = [1, 1]} : vector<1024x1024xf32> to vector<1024x128xf32>
      %eq3A_665 = arith.constant 1 : i32
      %eq3A_666 = vector.broadcast %eq3A_665 : i32 to vector<1024x128xi32>
      %eq3A_667 = arith.cmpi eq, %broadcast_in_dim3A_655, %eq3A_666 : vector<1024x128xi32>
      %add3A_668 = arith.addf %select_n3A_663, %slice3A_664 : vector<1024x128xf32>
      %select_n3A_669 = arith.select %eq3A_667, %add3A_668, %select_n3A_663 : vector<1024x128xi1>, vector<1024x128xf32>
      %slice3A_670 = vector.extract_strided_slice %get3A_22 {offsets = [0, 256], sizes = [1024, 128], strides = [1, 1]} : vector<1024x1024xf32> to vector<1024x128xf32>
      %eq3A_671 = arith.constant 2 : i32
      %eq3A_672 = vector.broadcast %eq3A_671 : i32 to vector<1024x128xi32>
      %eq3A_673 = arith.cmpi eq, %broadcast_in_dim3A_655, %eq3A_672 : vector<1024x128xi32>
      %add3A_674 = arith.addf %select_n3A_669, %slice3A_670 : vector<1024x128xf32>
      %select_n3A_675 = arith.select %eq3A_673, %add3A_674, %select_n3A_669 : vector<1024x128xi1>, vector<1024x128xf32>
      %slice3A_676 = vector.extract_strided_slice %get3A_22 {offsets = [0, 384], sizes = [1024, 128], strides = [1, 1]} : vector<1024x1024xf32> to vector<1024x128xf32>
      %eq3A_677 = arith.constant 3 : i32
      %eq3A_678 = vector.broadcast %eq3A_677 : i32 to vector<1024x128xi32>
      %eq3A_679 = arith.cmpi eq, %broadcast_in_dim3A_655, %eq3A_678 : vector<1024x128xi32>
      %add3A_680 = arith.addf %select_n3A_675, %slice3A_676 : vector<1024x128xf32>
      %select_n3A_681 = arith.select %eq3A_679, %add3A_680, %select_n3A_675 : vector<1024x128xi1>, vector<1024x128xf32>
      %slice3A_682 = vector.extract_strided_slice %get3A_22 {offsets = [0, 512], sizes = [1024, 128], strides = [1, 1]} : vector<1024x1024xf32> to vector<1024x128xf32>
      %eq3A_683 = arith.constant 4 : i32
      %eq3A_684 = vector.broadcast %eq3A_683 : i32 to vector<1024x128xi32>
      %eq3A_685 = arith.cmpi eq, %broadcast_in_dim3A_655, %eq3A_684 : vector<1024x128xi32>
      %add3A_686 = arith.addf %select_n3A_681, %slice3A_682 : vector<1024x128xf32>
      %select_n3A_687 = arith.select %eq3A_685, %add3A_686, %select_n3A_681 : vector<1024x128xi1>, vector<1024x128xf32>
      %slice3A_688 = vector.extract_strided_slice %get3A_22 {offsets = [0, 640], sizes = [1024, 128], strides = [1, 1]} : vector<1024x1024xf32> to vector<1024x128xf32>
      %eq3A_689 = arith.constant 5 : i32
      %eq3A_690 = vector.broadcast %eq3A_689 : i32 to vector<1024x128xi32>
      %eq3A_691 = arith.cmpi eq, %broadcast_in_dim3A_655, %eq3A_690 : vector<1024x128xi32>
      %add3A_692 = arith.addf %select_n3A_687, %slice3A_688 : vector<1024x128xf32>
      %select_n3A_693 = arith.select %eq3A_691, %add3A_692, %select_n3A_687 : vector<1024x128xi1>, vector<1024x128xf32>
      %slice3A_694 = vector.extract_strided_slice %get3A_22 {offsets = [0, 768], sizes = [1024, 128], strides = [1, 1]} : vector<1024x1024xf32> to vector<1024x128xf32>
      %eq3A_695 = arith.constant 6 : i32
      %eq3A_696 = vector.broadcast %eq3A_695 : i32 to vector<1024x128xi32>
      %eq3A_697 = arith.cmpi eq, %broadcast_in_dim3A_655, %eq3A_696 : vector<1024x128xi32>
      %add3A_698 = arith.addf %select_n3A_693, %slice3A_694 : vector<1024x128xf32>
      %select_n3A_699 = arith.select %eq3A_697, %add3A_698, %select_n3A_693 : vector<1024x128xi1>, vector<1024x128xf32>
      %slice3A_700 = vector.extract_strided_slice %get3A_22 {offsets = [0, 896], sizes = [1024, 128], strides = [1, 1]} : vector<1024x1024xf32> to vector<1024x128xf32>
      %eq3A_701 = arith.constant 7 : i32
      %eq3A_702 = vector.broadcast %eq3A_701 : i32 to vector<1024x128xi32>
      %eq3A_703 = arith.cmpi eq, %broadcast_in_dim3A_655, %eq3A_702 : vector<1024x128xi32>
      %add3A_704 = arith.addf %select_n3A_699, %slice3A_700 : vector<1024x128xf32>
      %select_n3A_705 = arith.select %eq3A_703, %add3A_704, %select_n3A_699 : vector<1024x128xi1>, vector<1024x128xf32>
      %slice3A_706 = vector.extract_strided_slice %get3A_28 {offsets = [0, 11], sizes = [1024, 1], strides = [1, 1]} : vector<1024x16xf32> to vector<1024x1xf32>
      %mul3A_707 = vector.broadcast %slice3A_706 : vector<1024x1xf32> to vector<1024x128xf32>
      %mul3A_708 = arith.mulf %select_n3A_705, %mul3A_707 : vector<1024x128xf32>
      %convert_element_type3A_709 = arith.truncf %mul3A_708 : vector<1024x128xf32> to vector<1024x128xbf16>
      %slice3A_710 = vector.extract_strided_slice %get3A_25 {offsets = [0, 12], sizes = [1024, 1], strides = [1, 1]} : vector<1024x16xi32> to vector<1024x1xi32>
      %broadcast_in_dim3A_711 = vector.shape_cast %slice3A_710 : vector<1024x1xi32> to vector<1024x1xi32>
      %broadcast_in_dim3A_712 = vector.broadcast %broadcast_in_dim3A_711 : vector<1024x1xi32> to vector<1024x128xi32>
      %broadcast_in_dim3A_713 = arith.constant 0.000000e+00 : f32
      %broadcast_in_dim3A_714 = vector.broadcast %broadcast_in_dim3A_713 : f32 to vector<1024x128xf32>
      %slice3A_715 = vector.extract_strided_slice %get3A_22 {offsets = [0, 0], sizes = [1024, 128], strides = [1, 1]} : vector<1024x1024xf32> to vector<1024x128xf32>
      %eq3A_716 = arith.constant 0 : i32
      %eq3A_717 = vector.broadcast %eq3A_716 : i32 to vector<1024x128xi32>
      %eq3A_718 = arith.cmpi eq, %broadcast_in_dim3A_712, %eq3A_717 : vector<1024x128xi32>
      %add3A_719 = arith.addf %broadcast_in_dim3A_714, %slice3A_715 : vector<1024x128xf32>
      %select_n3A_720 = arith.select %eq3A_718, %add3A_719, %broadcast_in_dim3A_714 : vector<1024x128xi1>, vector<1024x128xf32>
      %slice3A_721 = vector.extract_strided_slice %get3A_22 {offsets = [0, 128], sizes = [1024, 128], strides = [1, 1]} : vector<1024x1024xf32> to vector<1024x128xf32>
      %eq3A_722 = arith.constant 1 : i32
      %eq3A_723 = vector.broadcast %eq3A_722 : i32 to vector<1024x128xi32>
      %eq3A_724 = arith.cmpi eq, %broadcast_in_dim3A_712, %eq3A_723 : vector<1024x128xi32>
      %add3A_725 = arith.addf %select_n3A_720, %slice3A_721 : vector<1024x128xf32>
      %select_n3A_726 = arith.select %eq3A_724, %add3A_725, %select_n3A_720 : vector<1024x128xi1>, vector<1024x128xf32>
      %slice3A_727 = vector.extract_strided_slice %get3A_22 {offsets = [0, 256], sizes = [1024, 128], strides = [1, 1]} : vector<1024x1024xf32> to vector<1024x128xf32>
      %eq3A_728 = arith.constant 2 : i32
      %eq3A_729 = vector.broadcast %eq3A_728 : i32 to vector<1024x128xi32>
      %eq3A_730 = arith.cmpi eq, %broadcast_in_dim3A_712, %eq3A_729 : vector<1024x128xi32>
      %add3A_731 = arith.addf %select_n3A_726, %slice3A_727 : vector<1024x128xf32>
      %select_n3A_732 = arith.select %eq3A_730, %add3A_731, %select_n3A_726 : vector<1024x128xi1>, vector<1024x128xf32>
      %slice3A_733 = vector.extract_strided_slice %get3A_22 {offsets = [0, 384], sizes = [1024, 128], strides = [1, 1]} : vector<1024x1024xf32> to vector<1024x128xf32>
      %eq3A_734 = arith.constant 3 : i32
      %eq3A_735 = vector.broadcast %eq3A_734 : i32 to vector<1024x128xi32>
      %eq3A_736 = arith.cmpi eq, %broadcast_in_dim3A_712, %eq3A_735 : vector<1024x128xi32>
      %add3A_737 = arith.addf %select_n3A_732, %slice3A_733 : vector<1024x128xf32>
      %select_n3A_738 = arith.select %eq3A_736, %add3A_737, %select_n3A_732 : vector<1024x128xi1>, vector<1024x128xf32>
      %slice3A_739 = vector.extract_strided_slice %get3A_22 {offsets = [0, 512], sizes = [1024, 128], strides = [1, 1]} : vector<1024x1024xf32> to vector<1024x128xf32>
      %eq3A_740 = arith.constant 4 : i32
      %eq3A_741 = vector.broadcast %eq3A_740 : i32 to vector<1024x128xi32>
      %eq3A_742 = arith.cmpi eq, %broadcast_in_dim3A_712, %eq3A_741 : vector<1024x128xi32>
      %add3A_743 = arith.addf %select_n3A_738, %slice3A_739 : vector<1024x128xf32>
      %select_n3A_744 = arith.select %eq3A_742, %add3A_743, %select_n3A_738 : vector<1024x128xi1>, vector<1024x128xf32>
      %slice3A_745 = vector.extract_strided_slice %get3A_22 {offsets = [0, 640], sizes = [1024, 128], strides = [1, 1]} : vector<1024x1024xf32> to vector<1024x128xf32>
      %eq3A_746 = arith.constant 5 : i32
      %eq3A_747 = vector.broadcast %eq3A_746 : i32 to vector<1024x128xi32>
      %eq3A_748 = arith.cmpi eq, %broadcast_in_dim3A_712, %eq3A_747 : vector<1024x128xi32>
      %add3A_749 = arith.addf %select_n3A_744, %slice3A_745 : vector<1024x128xf32>
      %select_n3A_750 = arith.select %eq3A_748, %add3A_749, %select_n3A_744 : vector<1024x128xi1>, vector<1024x128xf32>
      %slice3A_751 = vector.extract_strided_slice %get3A_22 {offsets = [0, 768], sizes = [1024, 128], strides = [1, 1]} : vector<1024x1024xf32> to vector<1024x128xf32>
      %eq3A_752 = arith.constant 6 : i32
      %eq3A_753 = vector.broadcast %eq3A_752 : i32 to vector<1024x128xi32>
      %eq3A_754 = arith.cmpi eq, %broadcast_in_dim3A_712, %eq3A_753 : vector<1024x128xi32>
      %add3A_755 = arith.addf %select_n3A_750, %slice3A_751 : vector<1024x128xf32>
      %select_n3A_756 = arith.select %eq3A_754, %add3A_755, %select_n3A_750 : vector<1024x128xi1>, vector<1024x128xf32>
      %slice3A_757 = vector.extract_strided_slice %get3A_22 {offsets = [0, 896], sizes = [1024, 128], strides = [1, 1]} : vector<1024x1024xf32> to vector<1024x128xf32>
      %eq3A_758 = arith.constant 7 : i32
      %eq3A_759 = vector.broadcast %eq3A_758 : i32 to vector<1024x128xi32>
      %eq3A_760 = arith.cmpi eq, %broadcast_in_dim3A_712, %eq3A_759 : vector<1024x128xi32>
      %add3A_761 = arith.addf %select_n3A_756, %slice3A_757 : vector<1024x128xf32>
      %select_n3A_762 = arith.select %eq3A_760, %add3A_761, %select_n3A_756 : vector<1024x128xi1>, vector<1024x128xf32>
      %slice3A_763 = vector.extract_strided_slice %get3A_28 {offsets = [0, 12], sizes = [1024, 1], strides = [1, 1]} : vector<1024x16xf32> to vector<1024x1xf32>
      %mul3A_764 = vector.broadcast %slice3A_763 : vector<1024x1xf32> to vector<1024x128xf32>
      %mul3A_765 = arith.mulf %select_n3A_762, %mul3A_764 : vector<1024x128xf32>
      %convert_element_type3A_766 = arith.truncf %mul3A_765 : vector<1024x128xf32> to vector<1024x128xbf16>
      %slice3A_767 = vector.extract_strided_slice %get3A_25 {offsets = [0, 13], sizes = [1024, 1], strides = [1, 1]} : vector<1024x16xi32> to vector<1024x1xi32>
      %broadcast_in_dim3A_768 = vector.shape_cast %slice3A_767 : vector<1024x1xi32> to vector<1024x1xi32>
      %broadcast_in_dim3A_769 = vector.broadcast %broadcast_in_dim3A_768 : vector<1024x1xi32> to vector<1024x128xi32>
      %broadcast_in_dim3A_770 = arith.constant 0.000000e+00 : f32
      %broadcast_in_dim3A_771 = vector.broadcast %broadcast_in_dim3A_770 : f32 to vector<1024x128xf32>
      %slice3A_772 = vector.extract_strided_slice %get3A_22 {offsets = [0, 0], sizes = [1024, 128], strides = [1, 1]} : vector<1024x1024xf32> to vector<1024x128xf32>
      %eq3A_773 = arith.constant 0 : i32
      %eq3A_774 = vector.broadcast %eq3A_773 : i32 to vector<1024x128xi32>
      %eq3A_775 = arith.cmpi eq, %broadcast_in_dim3A_769, %eq3A_774 : vector<1024x128xi32>
      %add3A_776 = arith.addf %broadcast_in_dim3A_771, %slice3A_772 : vector<1024x128xf32>
      %select_n3A_777 = arith.select %eq3A_775, %add3A_776, %broadcast_in_dim3A_771 : vector<1024x128xi1>, vector<1024x128xf32>
      %slice3A_778 = vector.extract_strided_slice %get3A_22 {offsets = [0, 128], sizes = [1024, 128], strides = [1, 1]} : vector<1024x1024xf32> to vector<1024x128xf32>
      %eq3A_779 = arith.constant 1 : i32
      %eq3A_780 = vector.broadcast %eq3A_779 : i32 to vector<1024x128xi32>
      %eq3A_781 = arith.cmpi eq, %broadcast_in_dim3A_769, %eq3A_780 : vector<1024x128xi32>
      %add3A_782 = arith.addf %select_n3A_777, %slice3A_778 : vector<1024x128xf32>
      %select_n3A_783 = arith.select %eq3A_781, %add3A_782, %select_n3A_777 : vector<1024x128xi1>, vector<1024x128xf32>
      %slice3A_784 = vector.extract_strided_slice %get3A_22 {offsets = [0, 256], sizes = [1024, 128], strides = [1, 1]} : vector<1024x1024xf32> to vector<1024x128xf32>
      %eq3A_785 = arith.constant 2 : i32
      %eq3A_786 = vector.broadcast %eq3A_785 : i32 to vector<1024x128xi32>
      %eq3A_787 = arith.cmpi eq, %broadcast_in_dim3A_769, %eq3A_786 : vector<1024x128xi32>
      %add3A_788 = arith.addf %select_n3A_783, %slice3A_784 : vector<1024x128xf32>
      %select_n3A_789 = arith.select %eq3A_787, %add3A_788, %select_n3A_783 : vector<1024x128xi1>, vector<1024x128xf32>
      %slice3A_790 = vector.extract_strided_slice %get3A_22 {offsets = [0, 384], sizes = [1024, 128], strides = [1, 1]} : vector<1024x1024xf32> to vector<1024x128xf32>
      %eq3A_791 = arith.constant 3 : i32
      %eq3A_792 = vector.broadcast %eq3A_791 : i32 to vector<1024x128xi32>
      %eq3A_793 = arith.cmpi eq, %broadcast_in_dim3A_769, %eq3A_792 : vector<1024x128xi32>
      %add3A_794 = arith.addf %select_n3A_789, %slice3A_790 : vector<1024x128xf32>
      %select_n3A_795 = arith.select %eq3A_793, %add3A_794, %select_n3A_789 : vector<1024x128xi1>, vector<1024x128xf32>
      %slice3A_796 = vector.extract_strided_slice %get3A_22 {offsets = [0, 512], sizes = [1024, 128], strides = [1, 1]} : vector<1024x1024xf32> to vector<1024x128xf32>
      %eq3A_797 = arith.constant 4 : i32
      %eq3A_798 = vector.broadcast %eq3A_797 : i32 to vector<1024x128xi32>
      %eq3A_799 = arith.cmpi eq, %broadcast_in_dim3A_769, %eq3A_798 : vector<1024x128xi32>
      %add3A_800 = arith.addf %select_n3A_795, %slice3A_796 : vector<1024x128xf32>
      %select_n3A_801 = arith.select %eq3A_799, %add3A_800, %select_n3A_795 : vector<1024x128xi1>, vector<1024x128xf32>
      %slice3A_802 = vector.extract_strided_slice %get3A_22 {offsets = [0, 640], sizes = [1024, 128], strides = [1, 1]} : vector<1024x1024xf32> to vector<1024x128xf32>
      %eq3A_803 = arith.constant 5 : i32
      %eq3A_804 = vector.broadcast %eq3A_803 : i32 to vector<1024x128xi32>
      %eq3A_805 = arith.cmpi eq, %broadcast_in_dim3A_769, %eq3A_804 : vector<1024x128xi32>
      %add3A_806 = arith.addf %select_n3A_801, %slice3A_802 : vector<1024x128xf32>
      %select_n3A_807 = arith.select %eq3A_805, %add3A_806, %select_n3A_801 : vector<1024x128xi1>, vector<1024x128xf32>
      %slice3A_808 = vector.extract_strided_slice %get3A_22 {offsets = [0, 768], sizes = [1024, 128], strides = [1, 1]} : vector<1024x1024xf32> to vector<1024x128xf32>
      %eq3A_809 = arith.constant 6 : i32
      %eq3A_810 = vector.broadcast %eq3A_809 : i32 to vector<1024x128xi32>
      %eq3A_811 = arith.cmpi eq, %broadcast_in_dim3A_769, %eq3A_810 : vector<1024x128xi32>
      %add3A_812 = arith.addf %select_n3A_807, %slice3A_808 : vector<1024x128xf32>
      %select_n3A_813 = arith.select %eq3A_811, %add3A_812, %select_n3A_807 : vector<1024x128xi1>, vector<1024x128xf32>
      %slice3A_814 = vector.extract_strided_slice %get3A_22 {offsets = [0, 896], sizes = [1024, 128], strides = [1, 1]} : vector<1024x1024xf32> to vector<1024x128xf32>
      %eq3A_815 = arith.constant 7 : i32
      %eq3A_816 = vector.broadcast %eq3A_815 : i32 to vector<1024x128xi32>
      %eq3A_817 = arith.cmpi eq, %broadcast_in_dim3A_769, %eq3A_816 : vector<1024x128xi32>
      %add3A_818 = arith.addf %select_n3A_813, %slice3A_814 : vector<1024x128xf32>
      %select_n3A_819 = arith.select %eq3A_817, %add3A_818, %select_n3A_813 : vector<1024x128xi1>, vector<1024x128xf32>
      %slice3A_820 = vector.extract_strided_slice %get3A_28 {offsets = [0, 13], sizes = [1024, 1], strides = [1, 1]} : vector<1024x16xf32> to vector<1024x1xf32>
      %mul3A_821 = vector.broadcast %slice3A_820 : vector<1024x1xf32> to vector<1024x128xf32>
      %mul3A_822 = arith.mulf %select_n3A_819, %mul3A_821 : vector<1024x128xf32>
      %convert_element_type3A_823 = arith.truncf %mul3A_822 : vector<1024x128xf32> to vector<1024x128xbf16>
      %slice3A_824 = vector.extract_strided_slice %get3A_25 {offsets = [0, 14], sizes = [1024, 1], strides = [1, 1]} : vector<1024x16xi32> to vector<1024x1xi32>
      %broadcast_in_dim3A_825 = vector.shape_cast %slice3A_824 : vector<1024x1xi32> to vector<1024x1xi32>
      %broadcast_in_dim3A_826 = vector.broadcast %broadcast_in_dim3A_825 : vector<1024x1xi32> to vector<1024x128xi32>
      %broadcast_in_dim3A_827 = arith.constant 0.000000e+00 : f32
      %broadcast_in_dim3A_828 = vector.broadcast %broadcast_in_dim3A_827 : f32 to vector<1024x128xf32>
      %slice3A_829 = vector.extract_strided_slice %get3A_22 {offsets = [0, 0], sizes = [1024, 128], strides = [1, 1]} : vector<1024x1024xf32> to vector<1024x128xf32>
      %eq3A_830 = arith.constant 0 : i32
      %eq3A_831 = vector.broadcast %eq3A_830 : i32 to vector<1024x128xi32>
      %eq3A_832 = arith.cmpi eq, %broadcast_in_dim3A_826, %eq3A_831 : vector<1024x128xi32>
      %add3A_833 = arith.addf %broadcast_in_dim3A_828, %slice3A_829 : vector<1024x128xf32>
      %select_n3A_834 = arith.select %eq3A_832, %add3A_833, %broadcast_in_dim3A_828 : vector<1024x128xi1>, vector<1024x128xf32>
      %slice3A_835 = vector.extract_strided_slice %get3A_22 {offsets = [0, 128], sizes = [1024, 128], strides = [1, 1]} : vector<1024x1024xf32> to vector<1024x128xf32>
      %eq3A_836 = arith.constant 1 : i32
      %eq3A_837 = vector.broadcast %eq3A_836 : i32 to vector<1024x128xi32>
      %eq3A_838 = arith.cmpi eq, %broadcast_in_dim3A_826, %eq3A_837 : vector<1024x128xi32>
      %add3A_839 = arith.addf %select_n3A_834, %slice3A_835 : vector<1024x128xf32>
      %select_n3A_840 = arith.select %eq3A_838, %add3A_839, %select_n3A_834 : vector<1024x128xi1>, vector<1024x128xf32>
      %slice3A_841 = vector.extract_strided_slice %get3A_22 {offsets = [0, 256], sizes = [1024, 128], strides = [1, 1]} : vector<1024x1024xf32> to vector<1024x128xf32>
      %eq3A_842 = arith.constant 2 : i32
      %eq3A_843 = vector.broadcast %eq3A_842 : i32 to vector<1024x128xi32>
      %eq3A_844 = arith.cmpi eq, %broadcast_in_dim3A_826, %eq3A_843 : vector<1024x128xi32>
      %add3A_845 = arith.addf %select_n3A_840, %slice3A_841 : vector<1024x128xf32>
      %select_n3A_846 = arith.select %eq3A_844, %add3A_845, %select_n3A_840 : vector<1024x128xi1>, vector<1024x128xf32>
      %slice3A_847 = vector.extract_strided_slice %get3A_22 {offsets = [0, 384], sizes = [1024, 128], strides = [1, 1]} : vector<1024x1024xf32> to vector<1024x128xf32>
      %eq3A_848 = arith.constant 3 : i32
      %eq3A_849 = vector.broadcast %eq3A_848 : i32 to vector<1024x128xi32>
      %eq3A_850 = arith.cmpi eq, %broadcast_in_dim3A_826, %eq3A_849 : vector<1024x128xi32>
      %add3A_851 = arith.addf %select_n3A_846, %slice3A_847 : vector<1024x128xf32>
      %select_n3A_852 = arith.select %eq3A_850, %add3A_851, %select_n3A_846 : vector<1024x128xi1>, vector<1024x128xf32>
      %slice3A_853 = vector.extract_strided_slice %get3A_22 {offsets = [0, 512], sizes = [1024, 128], strides = [1, 1]} : vector<1024x1024xf32> to vector<1024x128xf32>
      %eq3A_854 = arith.constant 4 : i32
      %eq3A_855 = vector.broadcast %eq3A_854 : i32 to vector<1024x128xi32>
      %eq3A_856 = arith.cmpi eq, %broadcast_in_dim3A_826, %eq3A_855 : vector<1024x128xi32>
      %add3A_857 = arith.addf %select_n3A_852, %slice3A_853 : vector<1024x128xf32>
      %select_n3A_858 = arith.select %eq3A_856, %add3A_857, %select_n3A_852 : vector<1024x128xi1>, vector<1024x128xf32>
      %slice3A_859 = vector.extract_strided_slice %get3A_22 {offsets = [0, 640], sizes = [1024, 128], strides = [1, 1]} : vector<1024x1024xf32> to vector<1024x128xf32>
      %eq3A_860 = arith.constant 5 : i32
      %eq3A_861 = vector.broadcast %eq3A_860 : i32 to vector<1024x128xi32>
      %eq3A_862 = arith.cmpi eq, %broadcast_in_dim3A_826, %eq3A_861 : vector<1024x128xi32>
      %add3A_863 = arith.addf %select_n3A_858, %slice3A_859 : vector<1024x128xf32>
      %select_n3A_864 = arith.select %eq3A_862, %add3A_863, %select_n3A_858 : vector<1024x128xi1>, vector<1024x128xf32>
      %slice3A_865 = vector.extract_strided_slice %get3A_22 {offsets = [0, 768], sizes = [1024, 128], strides = [1, 1]} : vector<1024x1024xf32> to vector<1024x128xf32>
      %eq3A_866 = arith.constant 6 : i32
      %eq3A_867 = vector.broadcast %eq3A_866 : i32 to vector<1024x128xi32>
      %eq3A_868 = arith.cmpi eq, %broadcast_in_dim3A_826, %eq3A_867 : vector<1024x128xi32>
      %add3A_869 = arith.addf %select_n3A_864, %slice3A_865 : vector<1024x128xf32>
      %select_n3A_870 = arith.select %eq3A_868, %add3A_869, %select_n3A_864 : vector<1024x128xi1>, vector<1024x128xf32>
      %slice3A_871 = vector.extract_strided_slice %get3A_22 {offsets = [0, 896], sizes = [1024, 128], strides = [1, 1]} : vector<1024x1024xf32> to vector<1024x128xf32>
      %eq3A_872 = arith.constant 7 : i32
      %eq3A_873 = vector.broadcast %eq3A_872 : i32 to vector<1024x128xi32>
      %eq3A_874 = arith.cmpi eq, %broadcast_in_dim3A_826, %eq3A_873 : vector<1024x128xi32>
      %add3A_875 = arith.addf %select_n3A_870, %slice3A_871 : vector<1024x128xf32>
      %select_n3A_876 = arith.select %eq3A_874, %add3A_875, %select_n3A_870 : vector<1024x128xi1>, vector<1024x128xf32>
      %slice3A_877 = vector.extract_strided_slice %get3A_28 {offsets = [0, 14], sizes = [1024, 1], strides = [1, 1]} : vector<1024x16xf32> to vector<1024x1xf32>
      %mul3A_878 = vector.broadcast %slice3A_877 : vector<1024x1xf32> to vector<1024x128xf32>
      %mul3A_879 = arith.mulf %select_n3A_876, %mul3A_878 : vector<1024x128xf32>
      %convert_element_type3A_880 = arith.truncf %mul3A_879 : vector<1024x128xf32> to vector<1024x128xbf16>
      %slice3A_881 = vector.extract_strided_slice %get3A_25 {offsets = [0, 15], sizes = [1024, 1], strides = [1, 1]} : vector<1024x16xi32> to vector<1024x1xi32>
      %broadcast_in_dim3A_882 = vector.shape_cast %slice3A_881 : vector<1024x1xi32> to vector<1024x1xi32>
      %broadcast_in_dim3A_883 = vector.broadcast %broadcast_in_dim3A_882 : vector<1024x1xi32> to vector<1024x128xi32>
      %broadcast_in_dim3A_884 = arith.constant 0.000000e+00 : f32
      %broadcast_in_dim3A_885 = vector.broadcast %broadcast_in_dim3A_884 : f32 to vector<1024x128xf32>
      %slice3A_886 = vector.extract_strided_slice %get3A_22 {offsets = [0, 0], sizes = [1024, 128], strides = [1, 1]} : vector<1024x1024xf32> to vector<1024x128xf32>
      %eq3A_887 = arith.constant 0 : i32
      %eq3A_888 = vector.broadcast %eq3A_887 : i32 to vector<1024x128xi32>
      %eq3A_889 = arith.cmpi eq, %broadcast_in_dim3A_883, %eq3A_888 : vector<1024x128xi32>
      %add3A_890 = arith.addf %broadcast_in_dim3A_885, %slice3A_886 : vector<1024x128xf32>
      %select_n3A_891 = arith.select %eq3A_889, %add3A_890, %broadcast_in_dim3A_885 : vector<1024x128xi1>, vector<1024x128xf32>
      %slice3A_892 = vector.extract_strided_slice %get3A_22 {offsets = [0, 128], sizes = [1024, 128], strides = [1, 1]} : vector<1024x1024xf32> to vector<1024x128xf32>
      %eq3A_893 = arith.constant 1 : i32
      %eq3A_894 = vector.broadcast %eq3A_893 : i32 to vector<1024x128xi32>
      %eq3A_895 = arith.cmpi eq, %broadcast_in_dim3A_883, %eq3A_894 : vector<1024x128xi32>
      %add3A_896 = arith.addf %select_n3A_891, %slice3A_892 : vector<1024x128xf32>
      %select_n3A_897 = arith.select %eq3A_895, %add3A_896, %select_n3A_891 : vector<1024x128xi1>, vector<1024x128xf32>
      %slice3A_898 = vector.extract_strided_slice %get3A_22 {offsets = [0, 256], sizes = [1024, 128], strides = [1, 1]} : vector<1024x1024xf32> to vector<1024x128xf32>
      %eq3A_899 = arith.constant 2 : i32
      %eq3A_900 = vector.broadcast %eq3A_899 : i32 to vector<1024x128xi32>
      %eq3A_901 = arith.cmpi eq, %broadcast_in_dim3A_883, %eq3A_900 : vector<1024x128xi32>
      %add3A_902 = arith.addf %select_n3A_897, %slice3A_898 : vector<1024x128xf32>
      %select_n3A_903 = arith.select %eq3A_901, %add3A_902, %select_n3A_897 : vector<1024x128xi1>, vector<1024x128xf32>
      %slice3A_904 = vector.extract_strided_slice %get3A_22 {offsets = [0, 384], sizes = [1024, 128], strides = [1, 1]} : vector<1024x1024xf32> to vector<1024x128xf32>
      %eq3A_905 = arith.constant 3 : i32
      %eq3A_906 = vector.broadcast %eq3A_905 : i32 to vector<1024x128xi32>
      %eq3A_907 = arith.cmpi eq, %broadcast_in_dim3A_883, %eq3A_906 : vector<1024x128xi32>
      %add3A_908 = arith.addf %select_n3A_903, %slice3A_904 : vector<1024x128xf32>
      %select_n3A_909 = arith.select %eq3A_907, %add3A_908, %select_n3A_903 : vector<1024x128xi1>, vector<1024x128xf32>
      %slice3A_910 = vector.extract_strided_slice %get3A_22 {offsets = [0, 512], sizes = [1024, 128], strides = [1, 1]} : vector<1024x1024xf32> to vector<1024x128xf32>
      %eq3A_911 = arith.constant 4 : i32
      %eq3A_912 = vector.broadcast %eq3A_911 : i32 to vector<1024x128xi32>
      %eq3A_913 = arith.cmpi eq, %broadcast_in_dim3A_883, %eq3A_912 : vector<1024x128xi32>
      %add3A_914 = arith.addf %select_n3A_909, %slice3A_910 : vector<1024x128xf32>
      %select_n3A_915 = arith.select %eq3A_913, %add3A_914, %select_n3A_909 : vector<1024x128xi1>, vector<1024x128xf32>
      %slice3A_916 = vector.extract_strided_slice %get3A_22 {offsets = [0, 640], sizes = [1024, 128], strides = [1, 1]} : vector<1024x1024xf32> to vector<1024x128xf32>
      %eq3A_917 = arith.constant 5 : i32
      %eq3A_918 = vector.broadcast %eq3A_917 : i32 to vector<1024x128xi32>
      %eq3A_919 = arith.cmpi eq, %broadcast_in_dim3A_883, %eq3A_918 : vector<1024x128xi32>
      %add3A_920 = arith.addf %select_n3A_915, %slice3A_916 : vector<1024x128xf32>
      %select_n3A_921 = arith.select %eq3A_919, %add3A_920, %select_n3A_915 : vector<1024x128xi1>, vector<1024x128xf32>
      %slice3A_922 = vector.extract_strided_slice %get3A_22 {offsets = [0, 768], sizes = [1024, 128], strides = [1, 1]} : vector<1024x1024xf32> to vector<1024x128xf32>
      %eq3A_923 = arith.constant 6 : i32
      %eq3A_924 = vector.broadcast %eq3A_923 : i32 to vector<1024x128xi32>
      %eq3A_925 = arith.cmpi eq, %broadcast_in_dim3A_883, %eq3A_924 : vector<1024x128xi32>
      %add3A_926 = arith.addf %select_n3A_921, %slice3A_922 : vector<1024x128xf32>
      %select_n3A_927 = arith.select %eq3A_925, %add3A_926, %select_n3A_921 : vector<1024x128xi1>, vector<1024x128xf32>
      %slice3A_928 = vector.extract_strided_slice %get3A_22 {offsets = [0, 896], sizes = [1024, 128], strides = [1, 1]} : vector<1024x1024xf32> to vector<1024x128xf32>
      %eq3A_929 = arith.constant 7 : i32
      %eq3A_930 = vector.broadcast %eq3A_929 : i32 to vector<1024x128xi32>
      %eq3A_931 = arith.cmpi eq, %broadcast_in_dim3A_883, %eq3A_930 : vector<1024x128xi32>
      %add3A_932 = arith.addf %select_n3A_927, %slice3A_928 : vector<1024x128xf32>
      %select_n3A_933 = arith.select %eq3A_931, %add3A_932, %select_n3A_927 : vector<1024x128xi1>, vector<1024x128xf32>
      %slice3A_934 = vector.extract_strided_slice %get3A_28 {offsets = [0, 15], sizes = [1024, 1], strides = [1, 1]} : vector<1024x16xf32> to vector<1024x1xf32>
      %mul3A_935 = vector.broadcast %slice3A_934 : vector<1024x1xf32> to vector<1024x128xf32>
      %mul3A_936 = arith.mulf %select_n3A_933, %mul3A_935 : vector<1024x128xf32>
      %convert_element_type3A_937 = arith.truncf %mul3A_936 : vector<1024x128xf32> to vector<1024x128xbf16>
      %concatenate3A = tpu.concatenate %convert_element_type3A_82, %convert_element_type3A_139, %convert_element_type3A_196, %convert_element_type3A_253, %convert_element_type3A_310, %convert_element_type3A_367, %convert_element_type3A_424, %convert_element_type3A_481, %convert_element_type3A_538, %convert_element_type3A_595, %convert_element_type3A_652, %convert_element_type3A_709, %convert_element_type3A_766, %convert_element_type3A_823, %convert_element_type3A_880, %convert_element_type3A_937 in 1 : vector<1024x128xbf16>, vector<1024x128xbf16>, vector<1024x128xbf16>, vector<1024x128xbf16>, vector<1024x128xbf16>, vector<1024x128xbf16>, vector<1024x128xbf16>, vector<1024x128xbf16>, vector<1024x128xbf16>, vector<1024x128xbf16>, vector<1024x128xbf16>, vector<1024x128xbf16>, vector<1024x128xbf16>, vector<1024x128xbf16>, vector<1024x128xbf16>, vector<1024x128xbf16> -> vector<1024x2048xbf16>
      %get3A_938 = arith.constant 0 : index
      %get3A_939 = arith.constant 0 : index
      %get3A_940 = vector.load %arg7[%get3A_938, %get3A_939] : memref<2048x1024xbf16, #tpu.memory_space<vmem>>, vector<2048x1024xbf16>
      %dot_general3A_941 = arith.constant dense<0.000000e+00> : vector<1024x1024xf32>
      %dot_general3A_942 = tpu.matmul %concatenate3A, %get3A_940, %dot_general3A_941 {dimension_numbers = #tpu.dot_dimension_numbers<[1], [0], [0], [1], [0, 0, 1, 1], [], []>, transpose_lhs_hint = false} : vector<1024x2048xbf16>, vector<2048x1024xbf16>, vector<1024x1024xf32> -> vector<1024x1024xf32>
      %convert_element_type3A_943 = arith.truncf %dot_general3A_942 : vector<1024x1024xf32> to vector<1024x1024xbf16>
      %get3A_944 = arith.constant 0 : index
      %get3A_945 = arith.constant 0 : index
      %get3A_946 = vector.load %arg8[%get3A_944, %get3A_945] : memref<1024x1024xbf16, #tpu.memory_space<vmem>>, vector<1024x1024xbf16>
      %dot_general3A_947 = arith.constant dense<0.000000e+00> : vector<1024x1024xf32>
      %dot_general3A_948 = tpu.matmul %convert_element_type3A_943, %get3A_946, %dot_general3A_947 {dimension_numbers = #tpu.dot_dimension_numbers<[1], [1], [0], [0], [0, 0, 1, 0], [], []>, transpose_lhs_hint = false} : vector<1024x1024xbf16>, vector<1024x1024xbf16>, vector<1024x1024xf32> -> vector<1024x1024xf32>
      %get3A_949 = arith.constant 0 : index
      %get3A_950 = arith.constant 0 : index
      %get3A_951 = vector.load %arg9[%get3A_949, %get3A_950] : memref<1x1024xf32, #tpu.memory_space<vmem>>, vector<1x1024xf32>
      %add3A_952 = vector.broadcast %get3A_951 : vector<1x1024xf32> to vector<1024x1024xf32>
      %add3A_953 = arith.addf %dot_general3A_948, %add3A_952 : vector<1024x1024xf32>
      %swap3A_954 = arith.constant 0 : index
      %swap3A_955 = arith.constant 0 : index
      %swap3A_956 = vector.load %arg10[%swap3A_954, %swap3A_955] : memref<1024x1024xf32, #tpu.memory_space<vmem>>, vector<1024x1024xf32>
      tpu.vector_store %arg10[%swap3A_954, %swap3A_955], %add3A_953 {strides = array<i32>} : memref<1024x1024xf32, #tpu.memory_space<vmem>>, vector<1024x1024xf32>,
    } else {
    }
    return
  }
  func.func @transform_0(%arg0: i32, %arg1: i32) -> (i32, i32) {
    %c0_i32 = arith.constant 0 : i32
    return %arg0, %arg1 : i32, i32
  }
  func.func @transform_1(%arg0: i32, %arg1: i32) -> (i32, i32) {
    %c0_i32 = arith.constant 0 : i32
    %c0_i32_0 = arith.constant 0 : i32
    return %c0_i32, %arg1 : i32, i32
  }
  func.func @transform_2(%arg0: i32, %arg1: i32) -> (i32, i32) {
    %c0_i32 = arith.constant 0 : i32
    %c0_i32_0 = arith.constant 0 : i32
    return %c0_i32, %arg1 : i32, i32
  }
  func.func @transform_3(%arg0: i32, %arg1: i32) -> (i32, i32) {
    %c0_i32 = arith.constant 0 : i32
    %c0_i32_0 = arith.constant 0 : i32
    return %arg0, %c0_i32 : i32, i32
  }
  func.func @transform_4(%arg0: i32, %arg1: i32) -> (i32, i32) {
    %c0_i32 = arith.constant 0 : i32
    %c0_i32_0 = arith.constant 0 : i32
    return %arg0, %c0_i32 : i32, i32
  }
  func.func @transform_5(%arg0: i32, %arg1: i32) -> (i32, i32) {
    %c0_i32 = arith.constant 0 : i32
    %c0_i32_0 = arith.constant 0 : i32
    %c0_i32_1 = arith.constant 0 : i32
    return %c0_i32, %c0_i32_0 : i32, i32
  }
  func.func @transform_6(%arg0: i32, %arg1: i32) -> (i32, i32) {
    %c0_i32 = arith.constant 0 : i32
    %c0_i32_0 = arith.constant 0 : i32
    %c0_i32_1 = arith.constant 0 : i32
    return %c0_i32, %c0_i32_0 : i32, i32
  }
  func.func @transform_7(%arg0: i32, %arg1: i32) -> (i32, i32) {
    %c0_i32 = arith.constant 0 : i32
    %c0_i32_0 = arith.constant 0 : i32
    %c0_i32_1 = arith.constant 0 : i32
    return %c0_i32, %c0_i32_0 : i32, i32
  }
  func.func @transform_8(%arg0: i32, %arg1: i32) -> (i32, i32) {
    %c0_i32 = arith.constant 0 : i32
    %c0_i32_0 = arith.constant 0 : i32
    return %arg0, %c0_i32 : i32, i32
  }
}

</mosaic_0001>

<sc_bundles>
// kernel: kernel.5.cloned.1.call-start
scs
__scs_entry_jumppad:
0x0: {  	(pc) =	sbr.rel $0x88, $3  }
0x1: {  	(tag) =	ssettag $0x0;
	lr =	simm.s32 $0x1  }
0x2: {  	[smem:$0x3F99] =	sst lr;
	_ =	strace $0xD0000000  }
0x3: {  	_ = 	snop  }
0x4: {  	_ = 	snop  }
0x5: {  	_ = 	snop  }
0x6: {  	_ = 	snop  }
0x7: {  	_ = 	snop  }
__scs_overlays_trampoline_lowered:
0x8: {  	[smem:$0x3FA8] =	sst s0  }
0x9: {  	[smem:$0x3FA9] =	sst s1  }
0xa: {  	[smem:$0x3FAA] =	sst s2  }
0xb: {  	[smem:$0x3FAB] =	sst s3  }
0xc: {  	[smem:$0x3FAC] =	sst s4  }
0xd: {  	[smem:$0x3FAD] =	sst s5  }
0xe: {  	[smem:$0x3FAE] =	sst s6  }
0xf: {  	[smem:$0x3FAF] =	sst s7  }
0x10: {  	[smem:$0x3FB0] =	sst s8  }
0x11: {  	[smem:$0x3FB1] =	sst s9;
	s0 =	simm.s32 @!p0 $0x0  }
0x12: {  	s1 =	sld [smem:$0x3F97];
	s0 =	simm.s32 @p0 $0x1  }
0x13: {  	[smem:$0x3FB2] =	sst s0;
	s0 =	simm.s32 @!p1 $0x0  }
0x14: {  	s2 =	sld [smem:$0x3F96];
	s0 =	simm.s32 @p1 $0x1  }
0x15: {  	[smem:$0x3FB3] =	sst s0;
	s0 =	simm.s32 @!p2 $0x0  }
0x16: {  	s3 =	sld [smem:$0x3FDB];
	s0 =	simm.s32 @p2 $0x1  }
0x17: {  	s4 =	simm.s32 $0x1BF5;
	[smem:$0x3FB5] =	sst s0  }
0x18: {  	s0 =	sld [smem:$0x3F98];
	_ =	swait.ge [sflag:s4], $0x0  }
0x19: {  	s7 =	sld [smem:$0x3F99]  }
0x1a: {  	s8 =	sadd.s32 $0xFFFFE003, lr  }
0x1b: {  	s9 =	sadd.s32 $0xFFFFFEF7, lr;
	s5 =	simm.s32 $0xFFFFFFFF;
	p2 =	slt.u32 s8, $0xFFFFF086  }
0x1c: {  	p1 =	slt.u32 s9, $0xF7A;
	s5 =	simm.s32 @!p2 $0x0  }
0x1d: {  	s5 =	simm.s32 @p1 $0x1;
	p0 =	seq.s32 s7, s2  }
0x1e: {  	s7 =	smul.u32 @!p0 $0xF7A, s2;
	p2 =	seq.s32 @!p0 s5, $0x0  }
0x1f: {  	s9 =	smul.u32 $0xF7A, s1;
	s8 =	simm.s32 @!p0 $0x1BF5;
	p2 =	por !p2, p0  }
0x20: {  	[sflag:s8] =	ssyncset.s32 @!p0 $0xFFFFF086;
	s6 =	sadd.s32 @!p0 s3, s7;
	s7 =	simm.s32 @!p0 $0x108  }
0x21: {  	s3 =	sadd.s32 s3, s9;
	s6 =	sadd.s32 @!p0 $0x88, s6;
	s7 =	simm.s32 @p2 $0x1082  }
0x22: {  	[simem:s7], [sflag:s8] =	dma.local @!p0 [hbm:s6], $0xF7A  }
0x23: {  	s9 =	sor.u32 $0xD0000000, s2;
	s6 =	simm.s32 $0x108;
	_ =	swait.ge @!p0 [sflag:s8], $0x0  }
0x24: {  	s3 =	sadd.s32 $0x88, s3;
	s6 =	simm.s32 @!p1 $0x1082;
	[sflag:s4] =	ssyncset.s32 $0xFFFFF086  }
0x25: {  	[simem:s6], [sflag:s4] =	dma.local [hbm:s3], $0xF7A  }
0x26: {  	[smem:$0x3F99] =	sst s1;
	(tag) =	ssettag s2;
	_ =	strace s9  }
0x27: {  	s1 =	sld [smem:$0x3FA9]  }
0x28: {  	s2 =	sld [smem:$0x3FAA]  }
0x29: {  	s4 =	sld [smem:$0x3FAC]  }
0x2a: {  	p0 =	seq.s32 s5, $0x0;
	s5 =	sld [smem:$0x3FAD]  }
0x2b: {  	s6 =	sld [smem:$0x3FAE]  }
0x2c: {  	s7 =	sld [smem:$0x3FAF]  }
0x2d: {  	s3 =	simm.s32 $0x108;
	s8 =	sld [smem:$0x3FB0]  }
0x2e: {  	s3 =	simm.s32 @!p0 $0x1082;
	s9 =	sld [smem:$0x3FB1]  }
0x2f: {  	lr =	sadd.s32 s0, s3;
	s0 =	sld [smem:$0x3FA8]  }
0x30: {  	s3 =	sld [smem:$0x3FAB]  }
0x31: {  	[smem:$0x3FB4] =	sst s10  }
0x32: {  	s10 =	sld [smem:$0x3FB2];
	_ =	sdelay $0x3  }
0x33: {  	p0 =	seq.s32 s10, $0x1;
	s10 =	sld [smem:$0x3FB4];
	_ =	sdelay $0x3  }
0x34: {  	[smem:$0x3FB4] =	sst s10  }
0x35: {  	s10 =	sld [smem:$0x3FB3];
	_ =	sdelay $0x3  }
0x36: {  	p1 =	seq.s32 s10, $0x1;
	s10 =	sld [smem:$0x3FB4];
	_ =	sdelay $0x3  }
0x37: {  	[smem:$0x3FB4] =	sst s10  }
0x38: {  	s10 =	sld [smem:$0x3FB5]  }
0x39: {  	_ = 	snop;
	(pc) =	sbr.ind lr, $3  }
0x3a: {  	_ = 	snop  }
0x3b: {  	_ = 	snop  }
0x3c: {  	p2 =	seq.s32 s10, $0x1;
	s10 =	sld [smem:$0x3FB4]  }
0x3d: {  	_ =	shalt  }
0x3e: {  	_ =	shalt  }
0x3f: {  	_ =	shalt  }
0x40: {  	_ =	shalt  }
0x41: {  	_ =	shalt  }
0x42: {  	_ =	shalt  }
0x43: {  	_ =	shalt  }
0x44: {  	_ =	shalt  }
0x45: {  	_ =	shalt  }
0x46: {  	_ =	shalt  }
0x47: {  	_ =	shalt  }
0x48: {  	_ =	shalt  }
0x49: {  	_ =	shalt  }
0x4a: {  	_ =	shalt  }
0x4b: {  	_ =	shalt  }
0x4c: {  	_ =	shalt  }
0x4d: {  	_ =	shalt  }
0x4e: {  	_ =	shalt  }
0x4f: {  	_ =	shalt  }
0x50: {  	_ =	shalt  }
0x51: {  	_ =	shalt  }
0x52: {  	_ =	shalt  }
0x53: {  	_ =	shalt  }
0x54: {  	_ =	shalt  }
0x55: {  	_ =	shalt  }
0x56: {  	_ =	shalt  }
0x57: {  	_ =	shalt  }
0x58: {  	_ =	shalt  }
0x59: {  	_ =	shalt  }
0x5a: {  	_ =	shalt  }
0x5b: {  	_ =	shalt  }
0x5c: {  	_ =	shalt  }
0x5d: {  	_ =	shalt  }
0x5e: {  	_ =	shalt  }
0x5f: {  	_ =	shalt  }
0x60: {  	_ =	shalt  }
0x61: {  	_ =	shalt  }
0x62: {  	_ =	shalt  }
0x63: {  	_ =	shalt  }
0x64: {  	_ =	shalt  }
0x65: {  	_ =	shalt  }
0x66: {  	_ =	shalt  }
0x67: {  	_ =	shalt  }
0x68: {  	_ =	shalt  }
0x69: {  	_ =	shalt  }
0x6a: {  	_ =	shalt  }
0x6b: {  	_ =	shalt  }
0x6c: {  	_ =	shalt  }
0x6d: {  	_ =	shalt  }
0x6e: {  	_ =	shalt  }
0x6f: {  	_ =	shalt  }
0x70: {  	_ =	shalt  }
0x71: {  	_ =	shalt  }
0x72: {  	_ =	shalt  }
0x73: {  	_ =	shalt  }
0x74: {  	_ =	shalt  }
0x75: {  	_ =	shalt  }
0x76: {  	_ =	shalt  }
0x77: {  	_ =	shalt  }
0x78: {  	_ =	shalt  }
0x79: {  	_ =	shalt  }
0x7a: {  	_ =	shalt  }
0x7b: {  	_ =	shalt  }
0x7c: {  	_ =	shalt  }
0x7d: {  	_ =	shalt  }
0x7e: {  	_ =	shalt  }
0x7f: {  	_ =	shalt  }
0x80: {  	_ =	shalt  }
0x81: {  	_ =	shalt  }
0x82: {  	_ =	shalt  }
0x83: {  	_ =	shalt  }
0x84: {  	_ =	shalt  }
0x85: {  	_ =	shalt  }
0x86: {  	_ =	shalt  }
0x87: {  	_ =	shalt  }
.Lfunc_end0:
.L_simem_size_0:
called_computation_lowered:
.L_overlay_start_0:
0x88: {  	s2 =	sld [smem:$0x3FD9]  }
0x89: {  	s3 =	sld [smem:$0x3FFE];
	_ =	sdelay $0x1  }
0x8a: {  	s1 =	srdreg.scid  }
0x8b: {  	s0 =	sand.u32 $0x1, s1  }
0x8c: {  	s17 =	sshll.u32 s0, $0xA;
	s2 =	sadd.s32 s3, s2  }
0x8d: {  	s2 =	sadd.s32 s2, s17  }
0x8e: {  	[smem:$0x3FC0] =	sst s2  }
0x8f: {  	_ = 	snop  }
0x90: {  	s2 =	sld [smem:$0x3FD0];
	(tm) =	ssettm $0x1  }
0x91: {  	s18 =	sld [smem:$0x3FFB];
	_ =	sdelay $0x3  }
0x92: {  	_ =	strace s18  }
0x93: {  	s3 =	sld [smem:$0x3FFC];
	_ =	sdelay $0x3  }
0x94: {  	_ =	strace s3  }
0x95: {  	s3 =	sld [smem:$0x3FFD];
	_ =	sdelay $0x3  }
0x96: {  	_ =	strace s3  }
0x97: {  	_ =	strace $0x8FFFFFFF  }
0x98: {  	s19 =	sld [smem:$0x3FDB];
	_ =	sdelay $0x1  }
0x99: {  	s4 =	simm.s32 $_scs_section_size  }
0x9a: {  	s5 =	simm.s32 $_size__tile_overlayer_lowered;
	s6 =	simm.s32 $_tile_overlayer_lowered  }
0x9b: {  	s22 =	simm.s32 $0x1BFF;
	s21 =	sshll.u32 s6, $0x1;
	s3 =	sadd.s32 s4, s19  }
0x9c: {  	s7 =	simm.s32 $0x0;
	s20 =	sshll.u32 s5, $0x1;
	s5 =	sadd.s32 s21, s3  }
0x9d: {  	[timem:s7], [sflag:s22] =	dma.local [hbm:s5], s20  }
0x9e: {  	_ =	swait.ge [sflag:s22], s20  }
0x9f: {  	s4 =	ssub.s32 $0x0, s20;
	[sflag:s22] =	ssyncset.done $0x0  }
0xa0: {  	[sflag:s22] =	ssyncadd.s32 s4;
	_ =	sdelay $0x1  }
0xa1: {  	s23 =	simm.s32 $0x1B8B  }
0xa2: {  	_ =	swait.ge [sflag:s23], $0x1  }
0xa3: {  	[sflag:s23] =	ssyncset.done $0x0  }
0xa4: {  	s25 =	simm.s32 $0x1B8E;
	s24 =	sld [smem:$0x3FFE];
	[sflag:s23] =	ssyncadd.s32 $0xFFFFFFFF  }
0xa5: {  	s26 =	simm.s32 $execute0_lowered;
	[smem:$0x3FD2] =	sst s25  }
0xa6: {  	s5 =	sshll.u32 s26, $0x1;
	_ =	strace $0x80000046;
	[dreg:$0x1] =	wrdreg $0xFFFFFFFF  }
0xa7: {  	s28 =	simm.s32 $_size_execute0_lowered;
	s3 =	sadd.s32 s3, s5;
	[dreg:$0x0] =	wrdreg $0x0  }
0xa8: {  	s5 =	sshll.u32 s28, $0x1;
	[dreg:$0x2] =	wrdreg s3  }
0xa9: {  	[dreg:$0x3] =	wrdreg s5  }
0xaa: {  	[dreg:$0x4] =	wrdreg $0xC0  }
0xab: {  	_ =	task [dreg:s7], $0x5FFFF  }
0xac: {  	[dreg:$0x1] =	wrdreg $0xFFFFFFFF  }
0xad: {  	[dreg:$0x0] =	wrdreg $0x60  }
0xae: {  	[dreg:$0x2] =	wrdreg s24  }
0xaf: {  	[dreg:$0x3] =	wrdreg s2  }
0xb0: {  	[dreg:$0x4] =	wrdreg $0x9  }
0xb1: {  	_ =	task.clear_ibuf [dreg:s7], $0x5FFFF;
	_ =	strace $0x90000046  }
0xb2: {  	s29 =	simm.s32 $0x9;
	_ =	strace $0x80000048  }
0xb3: {  	_ =	swait.ge [sflag:s29], $0x1  }
0xb4: {  	[sflag:s29] =	ssyncadd.s32 $0xFFFFFFFF  }
0xb5: {  	_ =	strace $0x90000048  }
0xb6: {  	_ =	sfence  }
0xb7: {  	s30 =	sld [smem:$0x0];
	_ =	sdelay $0x2  }
0xb8: {  	s31 =	sshll.u32 s1, $0xD;
	s1 =	sshrl.u32 s1, $0x2  }
0xb9: {  	s3 =	sand.u32 $0x4000, s31;
	s1 =	sadd.s32 s1, s30  }
0xba: {  	s0 =	sor.u32 s3, s0;
	s1 =	sshll.u32 s1, $0x11  }
0xbb: {  	s0 =	sor.u32 s1, s0  }
0xbc: {  	s0 =	sadd.s32 $0x8F2B, s0  }
0xbd: {  	[sflag:s0] =	ssyncadd.remote.s32 $0x1  }
0xbe: {  	_ =	sfence.sel $0xFFFF  }
0xbf: {  	[dreg:$0x0] =	wrdreg $0xFFFFFFFF;
	(pc) =	sbr.abs _section_cstart, $3  }
0xc0: {  	[dreg:$0x1] =	wrdreg $0xFFFFFFFF  }
0xc1: {  	_ =	task.clear_ibuf [dreg:s7], $0x2FFFF;
	_ =	strace $0x9FFFFFFF  }
0xc2: {  	(tm) =	ssettm $0x7FFFFFFF  }
0xc3: {  	_ =	shalt  }
tec
execute0_lowered:
.L_overlay_start_1:
0x0: {  	(tag) =	ssettag $0x1  }
0x1: {  	s1 =	srdreg.scid  }
0x2: {  	s5 =	rddreg [dreg:$0x0];
	s0 =	stileid.u32;
	s12 =	sand.u32 $0x1, s1  }
0x3: {  	s13 =	rddreg [dreg:$0x1];
	s3 =	sshll.u32 s0, $0xA;
	s4 =	sshll.u32 s12, $0x9  }
0x4: {  	s2 =	simm.s32 $0x0;
	s1 =	rddreg [dreg:$0x2];
	s11 =	sor.u32 s4, s3  }
0x5: {  	[smem:$0x7FF] =	sst s2;
	s8 =	sadd.s32 $0x2000, s5;
	s3 =	sshrl.u32 s11, $0x3  }
0x6: {  	_ =	strace $0x80000047;
	s4 =	simm.s32 $0x3;
	s3 =	sadd.s32 s8, s3  }
0x7: {  	[tilespmem:s2], [sflag:$0x3] =	stream.linear.gather [hbm4b:s3+s2], $0x100, $0x38;
	[tilespmem:$0x10200] =	vst v63  }
0x8: {  	s6 =	simm.s32 $0x100;
	_ =	swait.ge [sflag:s4], $0x100  }
0x9: {  	s7 =	simm.s32 $0x200;
	s14 =	sor.u32 $0x100, s11;
	[sflag:s4] =	ssyncset.done $0x0  }
0xa: {  	s5 =	sadd.s32 $0x82000, s5;
	s9 =	sshrl.u32 s14, $0x3;
	[sflag:s4] =	ssyncadd.s32 $0xFFFFFF00  }
0xb: {  	[tilespmem:s7], [sflag:$0x1] =	stream.indirect.gather [hbm4b:s5+s6], $0x80, s2, s6, $0xb8;
	[tilespmem:$0x10200] =	vst v63  }
0xc: {  	s8 =	sadd.s32 s8, s9  }
0xd: {  	[tilespmem:s6], [sflag:$0x3] =	stream.linear.gather [hbm4b:s8+s2], $0x100, $0x38;
	[tilespmem:$0x10200] =	vst v63  }
0xe: {  	_ =	swait.ge [sflag:s4], $0x100  }
0xf: {  	[sflag:s4] =	ssyncset.done $0x0  }
0x10: {  	s10 =	simm.s32 $0x1;
	s9 =	simm.s32 $0x8200;
	[sflag:s4] =	ssyncadd.s32 $0xFFFFFF00  }
0x11: {  	[tilespmem:s9], [sflag:$0x1] =	stream.indirect.gather [hbm4b:s5+s6], $0x80, s6, s6, $0xb8;
	[tilespmem:$0x10200] =	vst v63  }
0x12: {  	_ =	swait.ge [sflag:s10], $0x8000  }
0x13: {  	s15 =	ssub.s32 $0x2, s12;
	s11 =	sshll.u32 s11, $0x4;
	[sflag:s10] =	ssyncset.done $0x0  }
0x14: {  	s31 =	sshrl.u32 s15, $0x1;
	s11 =	sadd.s32 s13, s11;
	[sflag:s10] =	ssyncadd.s32 $0xFFFF8000  }
0x15: {  	[hbm4b:s11+s2] =	stream.linear.scatter [tilespmem:s7], [sflag:$0x2], $0x8000, $0x38;
	[tilespmem:$0x10200] =	vst v63  }
0x16: {  	s30 =	sshll.u32 s14, $0x4;
	s14 =	ssub.s32 s15, s31;
	_ =	swait.ge [sflag:s10], $0x8000  }
0x17: {  	s12 =	simm.s32 $0x2;
	s14 =	smax.u32 s14, $0x1;
	[sflag:s10] =	ssyncset.done $0x0  }
0x18: {  	s13 =	sadd.s32 s13, s30;
	p0 =	sne.s32 s14, $0x1;
	[sflag:s10] =	ssyncadd.s32 $0xFFFF8000  }
0x19: {  	[hbm4b:s13+s2] =	stream.linear.scatter [tilespmem:s9], [sflag:$0x2], $0x8000, $0x38;
	[tilespmem:$0x10200] =	vst v63  }
.Ltmp0:
0x1a: {  	_ =	swait.ge [sflag:s12], $0x8000;
	(pc) =	sbr.rel @!p0 .LBB2_2-.Ltmp0, $4  }
0x1b: {  	[sflag:s12] =	ssyncset.done $0x0  }
0x1c: {  	[sflag:s12] =	ssyncadd.s32 $0xFFFF8000  }
0x1d: {  	_ =	swait.ge [sflag:s12], $0x8000  }
0x1e: {  	s14 =	sadd.s32 $0xFFFFFFFF, s14;
	[sflag:s12] =	ssyncset.done $0x0  }
.LBB2_1:
0x1f: {  	p0 =	sne.s32 s14, $0x1;
	s14 =	sadd.s32 $0xFFFFFFFF, s14;
	[sflag:s12] =	ssyncadd.s32 $0xFFFF8000  }
0x20: {  	[tilespmem:s2], [sflag:$0x3] =	stream.linear.gather [hbm4b:s3+s2], $0x100, $0x38;
	[tilespmem:$0x10200] =	vst v63  }
0x21: {  	_ =	swait.ge [sflag:s4], $0x100  }
0x22: {  	[sflag:s4] =	ssyncset.done $0x0  }
0x23: {  	[sflag:s4] =	ssyncadd.s32 $0xFFFFFF00  }
0x24: {  	[tilespmem:s7], [sflag:$0x1] =	stream.indirect.gather [hbm4b:s5+s6], $0x80, s2, s6, $0xb8;
	[tilespmem:$0x10200] =	vst v63  }
0x25: {  	_ = 	snop  }
0x26: {  	[tilespmem:s6], [sflag:$0x3] =	stream.linear.gather [hbm4b:s8+s2], $0x100, $0x38;
	[tilespmem:$0x10200] =	vst v63  }
0x27: {  	_ =	swait.ge [sflag:s4], $0x100  }
0x28: {  	[sflag:s4] =	ssyncset.done $0x0  }
0x29: {  	[sflag:s4] =	ssyncadd.s32 $0xFFFFFF00  }
0x2a: {  	[tilespmem:s9], [sflag:$0x1] =	stream.indirect.gather [hbm4b:s5+s6], $0x80, s6, s6, $0xb8;
	[tilespmem:$0x10200] =	vst v63  }
0x2b: {  	_ =	swait.ge [sflag:s10], $0x8000  }
0x2c: {  	[sflag:s10] =	ssyncset.done $0x0  }
0x2d: {  	[sflag:s10] =	ssyncadd.s32 $0xFFFF8000  }
0x2e: {  	[hbm4b:s11+s2] =	stream.linear.scatter [tilespmem:s7], [sflag:$0x2], $0x8000, $0x38;
	[tilespmem:$0x10200] =	vst v63  }
0x2f: {  	_ =	swait.ge [sflag:s10], $0x8000  }
0x30: {  	[sflag:s10] =	ssyncset.done $0x0  }
0x31: {  	[sflag:s10] =	ssyncadd.s32 $0xFFFF8000  }
0x32: {  	[hbm4b:s13+s2] =	stream.linear.scatter [tilespmem:s9], [sflag:$0x2], $0x8000, $0x38;
	[tilespmem:$0x10200] =	vst v63  }
.Ltmp1:
0x33: {  	_ =	swait.ge [sflag:s12], $0x8000;
	(pc) =	sbr.rel @p0 .LBB2_1-.Ltmp1, $4  }
0x34: {  	[sflag:s12] =	ssyncset.done $0x0  }
0x35: {  	[sflag:s12] =	ssyncadd.s32 $0xFFFF8000  }
0x36: {  	_ =	swait.ge [sflag:s12], $0x8000  }
0x37: {  	[sflag:s12] =	ssyncset.done $0x0  }
.LBB2_2:
0x38: {  	[sflag:s12] =	ssyncadd.s32 $0xFFFF8000  }
0x39: {  	_ =	sfence.sel $0x180000  }
0x3a: {  	[bflag:$0x0] =	sbarrier.arrive $0xFFFF  }
0x3b: {  	p0 =	sne.s32 s0, $0x0;
	_ =	strace $0x90000047  }
0x3c: {  	s0 =	sadd.s32 @!p0 $0x100000, s1;
	[bflag:$0x2] =	sbarrier.arrive $0xFFFF  }
0x3d: {  	[sflag:s0] =	ssyncadd.tile.s32 @!p0 $0x1;
	_ =	shalt  }
.Lfunc_end2:
_tile_overlayer_lowered:
.L_overlay_start_2:
0x3e: {  	(tag) =	ssettag $0x2  }
0x3f: {  	s0 =	rddreg [dreg:$0x0];
	s2 =	stileid.u32  }
0x40: {  	s1 =	rddreg [dreg:$0x1];
	p0 =	sne.s32 s2, $0x0  }
0x41: {  	s3 =	rddreg [dreg:$0x2];
	[bflag:$0x3] =	sbarrier.arrive $0xFFFF;
	s2 =	simm.s32 @!p0 $0x1C03  }
0x42: {  	[timem:s3], [sflag:s2] =	dma.local @!p0 [hbm:s0], s1  }
0x43: {  	s0 =	simm.s32 @!p0 $0x3  }
0x44: {  	_ =	swait.ge @!p0 [sflag:s0], s1  }
0x45: {  	s1 =	ssub.s32 @!p0 $0x0, s1;
	[sflag:s0] =	ssyncset.done @!p0 $0x0  }
0x46: {  	[sflag:s0] =	ssyncadd.s32 @!p0 s1  }
0x47: {  	[bflag:$0x3] =	sbarrier.arrive $0xFFFF  }
0x48: {  	_ =	shalt  }

</sc_bundles>
